<compile_context>
chip_gen: v7x
topology: tpu7x:2x2x1
jax: 0.10.2.dev20260603
libtpu: 0.0.44.dev20260713+nightly
codegen_flags: <defaults>
</compile_context>

<pallas_src>
import functools

import jax
import jax.numpy as jnp
from jax import lax
from jax.experimental import pallas as pl
from jax.experimental.pallas import tpu as pltpu
from jax.experimental.pallas import tpu_sc as plsc

N = 10000
E = 320000
D = 128
H = 96
EA = 16

NC = 2
NS = 16
NW = NC * NS
CH = 80
EPW = E // NW
IT = EPW // CH
N_PAD = ((N + 1 + NS * 8 - 1) // (NS * 8)) * (NS * 8)
RPT = N_PAD // NS




def _segsum(x, src, dst, d, with_count):
    mesh = plsc.VectorSubcoreMesh(core_axis_name="c", subcore_axis_name="s",
                                  num_cores=NC, num_subcores=NS)
    out_type = [jax.ShapeDtypeStruct((NC, N_PAD, d), jnp.float32)]
    scratch = [
        pltpu.VMEM((2, CH), jnp.int32),
        pltpu.VMEM((2, CH), jnp.int32),
        pltpu.VMEM((CH, d), jnp.float32),
        pltpu.VMEM((CH, d), jnp.float32),
        pltpu.SemaphoreType.DMA,
        pltpu.SemaphoreType.DMA,
        pltpu.SemaphoreType.DMA,
        pltpu.SemaphoreType.DMA,
        pltpu.VMEM_SHARED((N_PAD, d), jnp.float32),
    ]
    if with_count:
        out_type.append(jax.ShapeDtypeStruct((NC, N_PAD, 16), jnp.float32))
        scratch += [
            pltpu.VMEM((CH, 16), jnp.float32),
            pltpu.VMEM_SHARED((N_PAD, 16), jnp.float32),
        ]

    zrows = jnp.zeros((N_PAD, d), jnp.float32)
    zcnt = jnp.zeros((N_PAD, 16), jnp.float32)
    ones = jnp.ones((CH, 16), jnp.float32)
    ei4 = jnp.pad(
        jnp.stack([src.reshape(NW, IT, CH), dst.reshape(NW, IT, CH)], axis=2),
        ((0, 0), (0, 1), (0, 0), (0, 0)))

    def body(x_hbm, ei_hbm, zrows_hbm, zcnt_hbm, ones_hbm,
             out_hbm, cnt_hbm, idx_a, idx_b, rows_a, rows_b,
             sem_a, sem_b, sem_ia, sem_ib, ones_v=None, cnt_sh=None,
             acc_sh=None):
        c = lax.axis_index("c")
        s = lax.axis_index("s")
        wid = c * NS + s
        r0 = s * RPT
        pltpu.sync_copy(ei_hbm.at[wid, 0], idx_a)
        pltpu.sync_copy(zrows_hbm.at[pl.ds(r0, RPT)], acc_sh.at[pl.ds(r0, RPT)])
        if with_count:
            pltpu.sync_copy(zcnt_hbm.at[pl.ds(r0, RPT)],
                            cnt_sh.at[pl.ds(r0, RPT)])
            pltpu.sync_copy(ones_hbm, ones_v)
        plsc.subcore_barrier()

        def scat(buf, idx_v):
            pltpu.sync_copy(buf, acc_sh.at[idx_v.at[1]], add=True)
            if with_count:
                pltpu.sync_copy(ones_v, cnt_sh.at[idx_v.at[1]], add=True)

        def gat(idx_v, buf, sem):
            pltpu.async_copy(x_hbm.at[idx_v.at[0]], buf, sem)

        def gat_wait(idx_v, buf, sem):
            pltpu.make_async_copy(x_hbm.at[idx_v.at[0]], buf, sem).wait()

        def idx_load(j, idx_v, sem):
            pltpu.async_copy(ei_hbm.at[wid, j], idx_v, sem)

        def idx_wait(j, idx_v, sem):
            pltpu.make_async_copy(ei_hbm.at[wid, j], idx_v, sem).wait()

        gat(idx_a, rows_a, sem_a)
        idx_load(1, idx_b, sem_ib)

        def step(i, carry):
            a = 2 * i
            b = a + 1
            gat_wait(idx_a, rows_a, sem_a)
            idx_wait(b, idx_b, sem_ib)
            gat(idx_b, rows_b, sem_b)
            scat(rows_a, idx_a)
            idx_load(a + 2, idx_a, sem_ia)
            gat_wait(idx_b, rows_b, sem_b)
            idx_wait(a + 2, idx_a, sem_ia)
            gat(idx_a, rows_a, sem_a)
            scat(rows_b, idx_b)
            idx_load(b + 2, idx_b, sem_ib)
            return carry

        lax.fori_loop(0, (IT - 1) // 2, step, 0)
        gat_wait(idx_a, rows_a, sem_a)
        scat(rows_a, idx_a)
        idx_wait(IT, idx_b, sem_ib)

        plsc.subcore_barrier()
        pltpu.sync_copy(acc_sh.at[pl.ds(r0, RPT)],
                        out_hbm.at[c, pl.ds(r0, RPT)])
        if with_count:
            pltpu.sync_copy(cnt_sh.at[pl.ds(r0, RPT)],
                            cnt_hbm.at[c, pl.ds(r0, RPT)])

    cp = pltpu.CompilerParams(use_tc_tiling_on_sc=False)
    if with_count:
        def body_wc(x_hbm, ei_hbm, zrows_hbm, zcnt_hbm, ones_hbm,
                    out_hbm, cnt_hbm, idx_a, idx_b, rows_a, rows_b,
                    sem_a, sem_b, sem_ia, sem_ib, ones_v, cnt_sh, acc_sh):
            body(x_hbm, ei_hbm, zrows_hbm, zcnt_hbm, ones_hbm,
                 out_hbm, cnt_hbm, idx_a, idx_b, rows_a, rows_b,
                 sem_a, sem_b, sem_ia, sem_ib, ones_v, cnt_sh, acc_sh)
        scratch_wc = scratch[:8] + [scratch[9], scratch[10], scratch[8]]
        k = pl.kernel(body_wc, out_type=out_type, mesh=mesh,
                      scratch_types=scratch_wc, compiler_params=cp)
        res = k(x, ei4, zrows, zcnt, ones)
    else:
        def body_nc(x_hbm, ei_hbm, zrows_hbm, zcnt_hbm, ones_hbm,
                    out_hbm, idx_a, idx_b, rows_a, rows_b,
                    sem_a, sem_b, sem_ia, sem_ib, acc_sh):
            body(x_hbm, ei_hbm, zrows_hbm, zcnt_hbm, ones_hbm,
                 out_hbm, None, idx_a, idx_b, rows_a, rows_b,
                 sem_a, sem_b, sem_ia, sem_ib, None, None, acc_sh)
        k = pl.kernel(body_nc, out_type=out_type, mesh=mesh,
                      scratch_types=scratch, compiler_params=cp)
        res = k(x, ei4, zrows, zcnt, ones)
    if not isinstance(res, (list, tuple)):
        res = (res,)
    return tuple(res)


def _edge_gather(h, src, dst):
    mesh = plsc.VectorSubcoreMesh(core_axis_name="c", subcore_axis_name="s",
                                  num_cores=NC, num_subcores=NS)
    out_type = [jax.ShapeDtypeStruct((E, 128), jnp.bfloat16),
                jax.ShapeDtypeStruct((E, 128), jnp.bfloat16)]
    scratch = [
        pltpu.VMEM((IT, CH), jnp.int32),
        pltpu.VMEM((IT, CH), jnp.int32),
        pltpu.VMEM((CH, 128), jnp.bfloat16),
        pltpu.VMEM((CH, 128), jnp.bfloat16),
        pltpu.VMEM((CH, 128), jnp.bfloat16),
        pltpu.VMEM((CH, 128), jnp.bfloat16),
        pltpu.SemaphoreType.DMA,
        pltpu.SemaphoreType.DMA,
        pltpu.SemaphoreType.DMA,
        pltpu.SemaphoreType.DMA,
    ]
    src3 = src.reshape(NW, IT, CH)
    dst3 = dst.reshape(NW, IT, CH)

    def body(h_hbm, src_hbm, dst_hbm, outs_hbm, outd_hbm,
             srcs_v, dsts_v, sa, sb, da, db, sem_sa, sem_sb, sem_da, sem_db):
        c = lax.axis_index("c")
        s = lax.axis_index("s")
        wid = c * NS + s
        base = wid * EPW
        pltpu.sync_copy(src_hbm.at[wid], srcs_v)
        pltpu.sync_copy(dst_hbm.at[wid], dsts_v)

        def gat(idx_v, j, buf, sem):
            return pltpu.async_copy(h_hbm.at[idx_v.at[j]], buf, sem)

        def gat_wait(idx_v, j, buf, sem):
            pltpu.make_async_copy(h_hbm.at[idx_v.at[j]], buf, sem).wait()

        def wr(bufs, bufd, j):
            off = base + j * CH
            pltpu.sync_copy(bufs, outs_hbm.at[pl.ds(off, CH)])
            pltpu.sync_copy(bufd, outd_hbm.at[pl.ds(off, CH)])

        gat(srcs_v, 0, sa, sem_sa)
        gat(dsts_v, 0, da, sem_da)

        def step(i, carry):
            a = 2 * i
            b = a + 1
            gat_wait(srcs_v, a, sa, sem_sa)
            gat_wait(dsts_v, a, da, sem_da)
            gat(srcs_v, b, sb, sem_sb)
            gat(dsts_v, b, db, sem_db)
            wr(sa, da, a)
            gat_wait(srcs_v, b, sb, sem_sb)
            gat_wait(dsts_v, b, db, sem_db)
            gat(srcs_v, a + 2, sa, sem_sa)
            gat(dsts_v, a + 2, da, sem_da)
            wr(sb, db, b)
            return carry

        lax.fori_loop(0, (IT - 1) // 2, step, 0)
        gat_wait(srcs_v, IT - 1, sa, sem_sa)
        gat_wait(dsts_v, IT - 1, da, sem_da)
        wr(sa, da, IT - 1)

    k = pl.kernel(body, out_type=out_type, mesh=mesh, scratch_types=scratch,
                  compiler_params=pltpu.CompilerParams(use_tc_tiling_on_sc=False))
    return k(h, src3, dst3)


def _combine_kernel(sums_ref, cnt_ref, x_ref, wl_ref, wr_ref, b_ref, o_ref):
    s = sums_ref[0] + sums_ref[1]
    deg = cnt_ref[0, :, 0:1] + cnt_ref[1, :, 0:1]
    agg = s * (1.0 / jnp.maximum(deg, 1.0))
    o = (jnp.dot(agg, wl_ref[...], preferred_element_type=jnp.float32)
         + jnp.dot(x_ref[...], wr_ref[...], preferred_element_type=jnp.float32)
         + b_ref[...])
    o_ref[...] = jnp.maximum(o, 0.0)


def _sage_combine(sums, cnt, x, wlT, wrT, b):
    d = x.shape[1]
    R = 1000
    grid = N // R
    return pl.pallas_call(
        _combine_kernel,
        grid=(grid,),
        in_specs=[
            pl.BlockSpec((NC, R, d), lambda i: (0, i, 0)),
            pl.BlockSpec((NC, R, 16), lambda i: (0, i, 0)),
            pl.BlockSpec((R, d), lambda i: (i, 0)),
            pl.BlockSpec((d, H), lambda i: (0, 0)),
            pl.BlockSpec((d, H), lambda i: (0, 0)),
            pl.BlockSpec((1, H), lambda i: (0, 0)),
        ],
        out_specs=pl.BlockSpec((R, H), lambda i: (i, 0)),
        out_shape=jax.ShapeDtypeStruct((N, H), jnp.float32),
    )(sums, cnt, x, wlT, wrT, b)


def _combine_bn_kernel(sums_ref, cnt_ref, h_ref, wl_ref, wr_ref, b_ref,
                       g_ref, be_ref, o_ref):
    s = sums_ref[0, :N, :] + sums_ref[1, :N, :]
    deg = cnt_ref[0, :N, 0:1] + cnt_ref[1, :N, 0:1]
    agg = s * (1.0 / jnp.maximum(deg, 1.0))
    h2 = (jnp.dot(agg, wl_ref[...], preferred_element_type=jnp.float32)
          + jnp.dot(h_ref[...], wr_ref[...], preferred_element_type=jnp.float32)
          + b_ref[...])
    h2 = jnp.maximum(h2, 0.0)
    mean = jnp.mean(h2, axis=0, keepdims=True)
    cen = h2 - mean
    var = jnp.mean(cen * cen, axis=0, keepdims=True)
    scale = g_ref[...] * lax.rsqrt(var + 1e-5)
    hn = cen * scale + be_ref[...]
    o_ref[...] = jnp.concatenate(
        [hn, jnp.zeros((N, 128 - H), jnp.float32)], axis=1).astype(jnp.bfloat16)


def _sage_combine_bn(sums, cnt, h1, wlT, wrT, b, g, be):
    args = (sums, cnt, h1, wlT, wrT, b, g, be)
    return pl.pallas_call(
        _combine_bn_kernel,
        grid=(1,),
        in_specs=[pl.BlockSpec(a.shape, lambda i, r=a.ndim: (0,) * r)
                  for a in args],
        out_specs=pl.BlockSpec((N, 128), lambda i: (0, 0)),
        out_shape=jax.ShapeDtypeStruct((N, 128), jnp.bfloat16),
    )(*args)


def _edge_mlp_kernel(hs_ref, hd_ref, ea_ref, w1s_ref, w1d_ref, w1e_ref,
                     b1_ref, w2_ref, b2_ref, w3_ref, b3_ref, o_ref):
    bf = jnp.bfloat16
    z1 = (jnp.dot(hs_ref[...], w1s_ref[...],
                  preferred_element_type=jnp.float32)
          + jnp.dot(hd_ref[...], w1d_ref[...],
                    preferred_element_type=jnp.float32)
          + jnp.dot(ea_ref[...].astype(bf), w1e_ref[...],
                    preferred_element_type=jnp.float32)
          + b1_ref[...])
    z1 = jnp.maximum(z1, 0.0)
    z2 = (jnp.dot(z1.astype(bf), w2_ref[...],
                  preferred_element_type=jnp.float32) + b2_ref[...])
    z2 = jnp.maximum(z2, 0.0)
    o = jnp.sum(z2 * w3_ref[...], axis=1) + b3_ref[0, 0]
    o_ref[...] = o.reshape(o_ref.shape)


def _edge_mlp(hs, hd, ea, w1sT, w1dT, w1eT, b1, w2T, b2, w3, b3):
    EB = 1280
    grid = E // EB
    F1 = w1sT.shape[1]
    return pl.pallas_call(
        _edge_mlp_kernel,
        grid=(grid,),
        in_specs=[
            pl.BlockSpec((EB, 128), lambda i: (i, 0)),
            pl.BlockSpec((EB, 128), lambda i: (i, 0)),
            pl.BlockSpec((EB, EA), lambda i: (i, 0)),
            pl.BlockSpec((128, F1), lambda i: (0, 0)),
            pl.BlockSpec((128, F1), lambda i: (0, 0)),
            pl.BlockSpec((EA, F1), lambda i: (0, 0)),
            pl.BlockSpec((1, F1), lambda i: (0, 0)),
            pl.BlockSpec((F1, H), lambda i: (0, 0)),
            pl.BlockSpec((1, H), lambda i: (0, 0)),
            pl.BlockSpec((1, H), lambda i: (0, 0)),
            pl.BlockSpec((1, 1), lambda i: (0, 0)),
        ],
        out_specs=pl.BlockSpec((1, 8, EB // 8), lambda i: (i, 0, 0)),
        out_shape=jax.ShapeDtypeStruct((grid, 8, EB // 8), jnp.float32),
    )(hs, hd, ea, w1sT, w1dT, w1eT, b1, w2T, b2, w3, b3).reshape(E)


def kernel(x, full_ei, edge_index_batch, edge_attr_batch,
           W_l1, b_l1, W_r1, W_l2, b_l2, W_r2, gamma, beta,
           W1, b1, W2, b2, W3, b3):
    src1 = full_ei[0].astype(jnp.int32)
    dst1 = full_ei[1].astype(jnp.int32)
    src2 = edge_index_batch[0].astype(jnp.int32)
    dst2 = edge_index_batch[1].astype(jnp.int32)

    sums1, cnt = _segsum(x, src1, dst1, D, with_count=True)
    h1 = _sage_combine(sums1, cnt, x, W_l1.T, W_r1.T, b_l1[None])

    (sums2,) = _segsum(h1, src1, dst1, H, with_count=False)
    hn = _sage_combine_bn(sums2, cnt, h1, W_l2.T, W_r2.T, b_l2[None],
                          gamma[None], beta[None])

    hs, hd = _edge_gather(hn, src2, dst2)
    bf = jnp.bfloat16
    w1s = jnp.pad(W1[:, :H].T, ((0, 128 - H), (0, 0))).astype(bf)
    w1d = jnp.pad(W1[:, H:2 * H].T, ((0, 128 - H), (0, 0))).astype(bf)
    out = _edge_mlp(hs, hd, edge_attr_batch,
                    w1s, w1d, W1[:, 2 * H:].T.astype(bf),
                    b1[None], W2.T.astype(bf), b2[None], W3, b3[None])
    return out

# --- scband reference (transcript-rebuilt; emitter-appended) ---
"""Pipeline reference for scband-flight-gnn-20358144983192 (READ-ONLY COPY).

The authoritative reference and input builder live on the scoring server;
editing this copy changes nothing except your own understanding.
"""

import jax, jax.numpy as jnp
import numpy as np

N = 10000
E = 320000
D = 128
H = 96
EA = 16


def setup_inputs(seed: int = 0) -> dict:
    key = jax.random.key(seed)
    ks = jax.random.split(key, 20)
    x = jax.random.normal(ks[0], (N, D), dtype=jnp.float32)
    full_ei = jax.random.randint(ks[1], (2, E), 0, N, dtype=jnp.int64)
    edge_index_batch = jax.random.randint(ks[2], (2, E), 0, N, dtype=jnp.int64)
    edge_attr_batch = jax.random.normal(ks[3], (E, EA), dtype=jnp.float32)

    def lin(k, out_d, in_d):
        lim = 1.0 / np.sqrt(in_d)
        return jax.random.uniform(k, (out_d, in_d), jnp.float32, -lim, lim)

    def bias(k, out_d, in_d):
        lim = 1.0 / np.sqrt(in_d)
        return jax.random.uniform(k, (out_d,), jnp.float32, -lim, lim)

    params = {
        'W_l1': lin(ks[4], H, D), 'b_l1': bias(ks[5], H, D), 'W_r1': lin(ks[6], H, D),
        'W_l2': lin(ks[7], H, H), 'b_l2': bias(ks[8], H, H), 'W_r2': lin(ks[9], H, H),
        'gamma': jnp.ones((H,), jnp.float32), 'beta': jnp.zeros((H,), jnp.float32),
        'W1': lin(ks[10], 192, 2 * H + EA), 'b1': bias(ks[11], 192, 2 * H + EA),
        'W2': lin(ks[12], H, 192), 'b2': bias(ks[13], H, 192),
        'W3': lin(ks[14], 1, H), 'b3': bias(ks[15], 1, H),
    }
    inp = {'x': x, 'full_ei': full_ei, 'edge_index_batch': edge_index_batch,
           'edge_attr_batch': edge_attr_batch}
    inp.update(params)
    return inp


def _sage_conv(x, ei, Wl, bl, Wr):
    src, dst = ei[0], ei[1]
    msgs = jnp.take(x, src, axis=0)
    n = x.shape[0]
    summed = jax.ops.segment_sum(msgs, dst, num_segments=n)
    deg = jax.ops.segment_sum(jnp.ones((ei.shape[1],), x.dtype), dst, num_segments=n)
    agg = summed / jnp.clip(deg, 1.0)[:, None]
    return agg @ Wl.T + bl + x @ Wr.T


def reference(x, full_ei, edge_index_batch, edge_attr_batch,
              W_l1, b_l1, W_r1, W_l2, b_l2, W_r2, gamma, beta,
              W1, b1, W2, b2, W3, b3):
    h = jax.nn.relu(_sage_conv(x, full_ei, W_l1, b_l1, W_r1))
    h = jax.nn.relu(_sage_conv(h, full_ei, W_l2, b_l2, W_r2))
    # BatchNorm1d (training-mode batch statistics, biased variance, eps=1e-5)
    mean = jnp.mean(h, axis=0)
    var = jnp.var(h, axis=0)
    h = (h - mean) / jnp.sqrt(var + 1e-5) * gamma + beta
    src_h = jnp.take(h, edge_index_batch[0], axis=0)
    dst_h = jnp.take(h, edge_index_batch[1], axis=0)
    cat = jnp.concatenate([src_h, dst_h, edge_attr_batch], axis=1)
    z = jax.nn.relu(cat @ W1.T + b1)
    # Dropout is identity in eval mode
    z = jax.nn.relu(z @ W2.T + b2)
    out = z @ W3.T + b3
    return jnp.squeeze(out, axis=-1)

if __name__ == "__main__":
    import jax
    _d = setup_inputs()
    print(jax.jit(kernel)(*tuple(_d.values())))

</pallas_src>

<mosaic_0001>
#map = affine_map<(d0, d1) -> (0, 0)>
#map1 = affine_map<(d0, d1) -> (0, 0, 0)>
module attributes {stable_mosaic.version = 14 : i64} {
  func.func @body(%arg0: i32, %arg1: i32, %arg2: memref<10000x128xbf16, #tpu.memory_space<hbm>>, %arg3: memref<32x125x80xi32, #tpu.memory_space<hbm>>, %arg4: memref<32x125x80xi32, #tpu.memory_space<hbm>>, %arg5: memref<320000x128xbf16, #tpu.memory_space<hbm>>, %arg6: memref<320000x128xbf16, #tpu.memory_space<hbm>>, %arg7: memref<125x80xi32, #tpu.memory_space<vmem>>, %arg8: memref<125x80xi32, #tpu.memory_space<vmem>>, %arg9: memref<80x128xbf16, #tpu.memory_space<vmem>>, %arg10: memref<80x128xbf16, #tpu.memory_space<vmem>>, %arg11: memref<80x128xbf16, #tpu.memory_space<vmem>>, %arg12: memref<80x128xbf16, #tpu.memory_space<vmem>>, %arg13: memref<!tpu.dma_semaphore, #tpu.memory_space<semaphore_mem>>, %arg14: memref<!tpu.dma_semaphore, #tpu.memory_space<semaphore_mem>>, %arg15: memref<!tpu.dma_semaphore, #tpu.memory_space<semaphore_mem>>, %arg16: memref<!tpu.dma_semaphore, #tpu.memory_space<semaphore_mem>>) attributes {dimension_semantics = [#tpu.dimension_semantics<core_parallel>, #tpu.dimension_semantics<subcore_parallel>], iteration_bounds = array<i64: 2, 16>, scalar_prefetch = 0 : i64, scratch_operands = 10 : i64, tpu.core_type = #tpu.core_type<sc_vector_subcore>, window_params = [{transform_indices = #map}, {transform_indices = #map1}, {transform_indices = #map1}, {transform_indices = #map}, {transform_indices = #map}]} {
    %mul3A = arith.constant 16 : i32
    %mul3A_0 = arith.muli %arg0, %mul3A : i32
    %add3A = arith.addi %mul3A_0, %arg1 : i32
    %mul3A_1 = arith.constant 10000 : i32
    %mul3A_2 = arith.muli %add3A, %mul3A_1 : i32
    "tpu.region"() ({
      %run_scoped3A = tpu.sem_alloc : memref<!tpu.dma_semaphore, #tpu.memory_space<semaphore_mem>>
      %dma_start3A_36 = arith.constant 0 : i32
      %dma_start3A_37 = arith.constant 0 : i32
      %dma_start3A_38 = tpu.memref_slice %arg3[%add3A, %dma_start3A_36, %dma_start3A_37] : memref<32x125x80xi32, #tpu.memory_space<hbm>> -> memref<1x125x80xi32, #tpu.memory_space<hbm>>
      %dma_start3A_39 = tpu.memref_squeeze %dma_start3A_38 : memref<1x125x80xi32, #tpu.memory_space<hbm>> -> memref<125x80xi32, #tpu.memory_space<hbm>>
      %dma_start3A_40 = arith.constant 0 : i32
      %dma_start3A_41 = arith.constant 0 : i32
      %dma_start3A_42 = tpu.memref_slice %arg3[%add3A, %dma_start3A_40, %dma_start3A_41] : memref<32x125x80xi32, #tpu.memory_space<hbm>> -> memref<1x125x80xi32, #tpu.memory_space<hbm>>
      %dma_start3A_43 = tpu.memref_squeeze %dma_start3A_42 : memref<1x125x80xi32, #tpu.memory_space<hbm>> -> memref<125x80xi32, #tpu.memory_space<hbm>>
      tpu.enqueue_dma source(%dma_start3A_43 : memref<125x80xi32, #tpu.memory_space<hbm>>) target(%arg7 : memref<125x80xi32, #tpu.memory_space<vmem>>) target_semaphore(%run_scoped3A : memref<!tpu.dma_semaphore, #tpu.memory_space<semaphore_mem>>)
      %dma_wait3A_44 = arith.constant 0 : i32
      %dma_wait3A_45 = arith.constant 0 : i32
      %dma_wait3A_46 = tpu.memref_slice %arg3[%add3A, %dma_wait3A_44, %dma_wait3A_45] : memref<32x125x80xi32, #tpu.memory_space<hbm>> -> memref<1x125x80xi32, #tpu.memory_space<hbm>>
      %dma_wait3A_47 = tpu.memref_squeeze %dma_wait3A_46 : memref<1x125x80xi32, #tpu.memory_space<hbm>> -> memref<125x80xi32, #tpu.memory_space<hbm>>
      %dma_wait3A_48 = arith.constant 0 : i32
      %dma_wait3A_49 = arith.constant 0 : i32
      %dma_wait3A_50 = tpu.memref_slice %arg3[%add3A, %dma_wait3A_48, %dma_wait3A_49] : memref<32x125x80xi32, #tpu.memory_space<hbm>> -> memref<1x125x80xi32, #tpu.memory_space<hbm>>
      %dma_wait3A_51 = tpu.memref_squeeze %dma_wait3A_50 : memref<1x125x80xi32, #tpu.memory_space<hbm>> -> memref<125x80xi32, #tpu.memory_space<hbm>>
      tpu.wait_dma2 semaphore(%run_scoped3A : memref<!tpu.dma_semaphore, #tpu.memory_space<semaphore_mem>>) src(%dma_wait3A_51 : memref<125x80xi32, #tpu.memory_space<hbm>>) dst(%arg7 : memref<125x80xi32, #tpu.memory_space<vmem>>)
      tpu.yield
    }) : () -> ()
    "tpu.region"() ({
      %run_scoped3A = tpu.sem_alloc : memref<!tpu.dma_semaphore, #tpu.memory_space<semaphore_mem>>
      %dma_start3A_36 = arith.constant 0 : i32
      %dma_start3A_37 = arith.constant 0 : i32
      %dma_start3A_38 = tpu.memref_slice %arg4[%add3A, %dma_start3A_36, %dma_start3A_37] : memref<32x125x80xi32, #tpu.memory_space<hbm>> -> memref<1x125x80xi32, #tpu.memory_space<hbm>>
      %dma_start3A_39 = tpu.memref_squeeze %dma_start3A_38 : memref<1x125x80xi32, #tpu.memory_space<hbm>> -> memref<125x80xi32, #tpu.memory_space<hbm>>
      %dma_start3A_40 = arith.constant 0 : i32
      %dma_start3A_41 = arith.constant 0 : i32
      %dma_start3A_42 = tpu.memref_slice %arg4[%add3A, %dma_start3A_40, %dma_start3A_41] : memref<32x125x80xi32, #tpu.memory_space<hbm>> -> memref<1x125x80xi32, #tpu.memory_space<hbm>>
      %dma_start3A_43 = tpu.memref_squeeze %dma_start3A_42 : memref<1x125x80xi32, #tpu.memory_space<hbm>> -> memref<125x80xi32, #tpu.memory_space<hbm>>
      tpu.enqueue_dma source(%dma_start3A_43 : memref<125x80xi32, #tpu.memory_space<hbm>>) target(%arg8 : memref<125x80xi32, #tpu.memory_space<vmem>>) target_semaphore(%run_scoped3A : memref<!tpu.dma_semaphore, #tpu.memory_space<semaphore_mem>>)
      %dma_wait3A_44 = arith.constant 0 : i32
      %dma_wait3A_45 = arith.constant 0 : i32
      %dma_wait3A_46 = tpu.memref_slice %arg4[%add3A, %dma_wait3A_44, %dma_wait3A_45] : memref<32x125x80xi32, #tpu.memory_space<hbm>> -> memref<1x125x80xi32, #tpu.memory_space<hbm>>
      %dma_wait3A_47 = tpu.memref_squeeze %dma_wait3A_46 : memref<1x125x80xi32, #tpu.memory_space<hbm>> -> memref<125x80xi32, #tpu.memory_space<hbm>>
      %dma_wait3A_48 = arith.constant 0 : i32
      %dma_wait3A_49 = arith.constant 0 : i32
      %dma_wait3A_50 = tpu.memref_slice %arg4[%add3A, %dma_wait3A_48, %dma_wait3A_49] : memref<32x125x80xi32, #tpu.memory_space<hbm>> -> memref<1x125x80xi32, #tpu.memory_space<hbm>>
      %dma_wait3A_51 = tpu.memref_squeeze %dma_wait3A_50 : memref<1x125x80xi32, #tpu.memory_space<hbm>> -> memref<125x80xi32, #tpu.memory_space<hbm>>
      tpu.wait_dma2 semaphore(%run_scoped3A : memref<!tpu.dma_semaphore, #tpu.memory_space<semaphore_mem>>) src(%dma_wait3A_51 : memref<125x80xi32, #tpu.memory_space<hbm>>) dst(%arg8 : memref<125x80xi32, #tpu.memory_space<vmem>>)
      tpu.yield
    }) : () -> ()
    %dma_start3A = arith.constant 0 : i32
    %dma_start3A_3 = arith.constant 0 : i32
    %dma_start3A_4 = tpu.memref_slice %arg7[%dma_start3A, %dma_start3A_3] : memref<125x80xi32, #tpu.memory_space<vmem>> -> memref<1x80xi32, #tpu.memory_space<vmem>>
    %dma_start3A_5 = tpu.memref_squeeze %dma_start3A_4 : memref<1x80xi32, #tpu.memory_space<vmem>> -> memref<80xi32, #tpu.memory_space<vmem>>
    %dma_start3A_6 = arith.constant 0 : i32
    %dma_start3A_7 = arith.constant 0 : i32
    %dma_start3A_8 = tpu.memref_slice %arg2[%dma_start3A_6, %dma_start3A_7] : memref<10000x128xbf16, #tpu.memory_space<hbm>> -> memref<10000x128xbf16, #tpu.memory_space<hbm>>
    tpu.enqueue_indirect_dma source(%dma_start3A_8 : memref<10000x128xbf16, #tpu.memory_space<hbm>>) target(%arg9 : memref<80x128xbf16, #tpu.memory_space<vmem>>) offsets(%dma_start3A_5 : memref<80xi32, #tpu.memory_space<vmem>>) semaphore(%arg13 : memref<!tpu.dma_semaphore, #tpu.memory_space<semaphore_mem>>)
    %dma_start3A_9 = arith.constant 0 : i32
    %dma_start3A_10 = arith.constant 0 : i32
    %dma_start3A_11 = tpu.memref_slice %arg8[%dma_start3A_9, %dma_start3A_10] : memref<125x80xi32, #tpu.memory_space<vmem>> -> memref<1x80xi32, #tpu.memory_space<vmem>>
    %dma_start3A_12 = tpu.memref_squeeze %dma_start3A_11 : memref<1x80xi32, #tpu.memory_space<vmem>> -> memref<80xi32, #tpu.memory_space<vmem>>
    %dma_start3A_13 = arith.constant 0 : i32
    %dma_start3A_14 = arith.constant 0 : i32
    %dma_start3A_15 = tpu.memref_slice %arg2[%dma_start3A_13, %dma_start3A_14] : memref<10000x128xbf16, #tpu.memory_space<hbm>> -> memref<10000x128xbf16, #tpu.memory_space<hbm>>
    tpu.enqueue_indirect_dma source(%dma_start3A_15 : memref<10000x128xbf16, #tpu.memory_space<hbm>>) target(%arg11 : memref<80x128xbf16, #tpu.memory_space<vmem>>) offsets(%dma_start3A_12 : memref<80xi32, #tpu.memory_space<vmem>>) semaphore(%arg15 : memref<!tpu.dma_semaphore, #tpu.memory_space<semaphore_mem>>)
    %scan3A = arith.constant 0 : i32
    %scan3A_16 = arith.constant 0 : i32
    %scan3A_17 = arith.constant 62 : i32
    %scan3A_18 = arith.addi %scan3A_16, %scan3A_17 : i32
    %scan3A_19 = arith.constant 1 : i32
    scf.for %scan3A_36 = %scan3A_16 to %scan3A_18 step %scan3A_19  : i32 {
      %mul3A_37 = arith.constant 2 : i32
      %mul3A_38 = arith.muli %mul3A_37, %scan3A_36 : i32
      %add3A_39 = arith.constant 1 : i32
      %add3A_40 = arith.addi %mul3A_38, %add3A_39 : i32
      %dma_wait3A_41 = arith.constant 0 : i32
      %dma_wait3A_42 = tpu.memref_slice %arg7[%mul3A_38, %dma_wait3A_41] : memref<125x80xi32, #tpu.memory_space<vmem>> -> memref<1x80xi32, #tpu.memory_space<vmem>>
      %dma_wait3A_43 = tpu.memref_squeeze %dma_wait3A_42 : memref<1x80xi32, #tpu.memory_space<vmem>> -> memref<80xi32, #tpu.memory_space<vmem>>
      %dma_wait3A_44 = arith.constant 0 : i32
      %dma_wait3A_45 = arith.constant 0 : i32
      %dma_wait3A_46 = tpu.memref_slice %arg2[%dma_wait3A_44, %dma_wait3A_45] : memref<10000x128xbf16, #tpu.memory_space<hbm>> -> memref<10000x128xbf16, #tpu.memory_space<hbm>>
      tpu.wait_indirect_dma semaphore(%arg13 : memref<!tpu.dma_semaphore, #tpu.memory_space<semaphore_mem>>) src(%dma_wait3A_46 : memref<10000x128xbf16, #tpu.memory_space<hbm>>) dst(%arg9 : memref<80x128xbf16, #tpu.memory_space<vmem>>)
      %dma_wait3A_47 = arith.constant 0 : i32
      %dma_wait3A_48 = tpu.memref_slice %arg8[%mul3A_38, %dma_wait3A_47] : memref<125x80xi32, #tpu.memory_space<vmem>> -> memref<1x80xi32, #tpu.memory_space<vmem>>
      %dma_wait3A_49 = tpu.memref_squeeze %dma_wait3A_48 : memref<1x80xi32, #tpu.memory_space<vmem>> -> memref<80xi32, #tpu.memory_space<vmem>>
      %dma_wait3A_50 = arith.constant 0 : i32
      %dma_wait3A_51 = arith.constant 0 : i32
      %dma_wait3A_52 = tpu.memref_slice %arg2[%dma_wait3A_50, %dma_wait3A_51] : memref<10000x128xbf16, #tpu.memory_space<hbm>> -> memref<10000x128xbf16, #tpu.memory_space<hbm>>
      tpu.wait_indirect_dma semaphore(%arg15 : memref<!tpu.dma_semaphore, #tpu.memory_space<semaphore_mem>>) src(%dma_wait3A_52 : memref<10000x128xbf16, #tpu.memory_space<hbm>>) dst(%arg11 : memref<80x128xbf16, #tpu.memory_space<vmem>>)
      %dma_start3A_53 = arith.constant 0 : i32
      %dma_start3A_54 = tpu.memref_slice %arg7[%add3A_40, %dma_start3A_53] : memref<125x80xi32, #tpu.memory_space<vmem>> -> memref<1x80xi32, #tpu.memory_space<vmem>>
      %dma_start3A_55 = tpu.memref_squeeze %dma_start3A_54 : memref<1x80xi32, #tpu.memory_space<vmem>> -> memref<80xi32, #tpu.memory_space<vmem>>
      %dma_start3A_56 = arith.constant 0 : i32
      %dma_start3A_57 = arith.constant 0 : i32
      %dma_start3A_58 = tpu.memref_slice %arg2[%dma_start3A_56, %dma_start3A_57] : memref<10000x128xbf16, #tpu.memory_space<hbm>> -> memref<10000x128xbf16, #tpu.memory_space<hbm>>
      tpu.enqueue_indirect_dma source(%dma_start3A_58 : memref<10000x128xbf16, #tpu.memory_space<hbm>>) target(%arg10 : memref<80x128xbf16, #tpu.memory_space<vmem>>) offsets(%dma_start3A_55 : memref<80xi32, #tpu.memory_space<vmem>>) semaphore(%arg14 : memref<!tpu.dma_semaphore, #tpu.memory_space<semaphore_mem>>)
      %dma_start3A_59 = arith.constant 0 : i32
      %dma_start3A_60 = tpu.memref_slice %arg8[%add3A_40, %dma_start3A_59] : memref<125x80xi32, #tpu.memory_space<vmem>> -> memref<1x80xi32, #tpu.memory_space<vmem>>
      %dma_start3A_61 = tpu.memref_squeeze %dma_start3A_60 : memref<1x80xi32, #tpu.memory_space<vmem>> -> memref<80xi32, #tpu.memory_space<vmem>>
      %dma_start3A_62 = arith.constant 0 : i32
      %dma_start3A_63 = arith.constant 0 : i32
      %dma_start3A_64 = tpu.memref_slice %arg2[%dma_start3A_62, %dma_start3A_63] : memref<10000x128xbf16, #tpu.memory_space<hbm>> -> memref<10000x128xbf16, #tpu.memory_space<hbm>>
      tpu.enqueue_indirect_dma source(%dma_start3A_64 : memref<10000x128xbf16, #tpu.memory_space<hbm>>) target(%arg12 : memref<80x128xbf16, #tpu.memory_space<vmem>>) offsets(%dma_start3A_61 : memref<80xi32, #tpu.memory_space<vmem>>) semaphore(%arg16 : memref<!tpu.dma_semaphore, #tpu.memory_space<semaphore_mem>>)
      %mul3A_65 = arith.constant 80 : i32
      %mul3A_66 = arith.muli %mul3A_38, %mul3A_65 : i32
      %add3A_67 = arith.addi %mul3A_2, %mul3A_66 : i32
      "tpu.region"() ({
        %run_scoped3A = tpu.sem_alloc : memref<!tpu.dma_semaphore, #tpu.memory_space<semaphore_mem>>
        %dma_start3A_99 = arith.constant 0 : i32
        %dma_start3A_100 = tpu.memref_slice %arg5[%add3A_67, %dma_start3A_99] : memref<320000x128xbf16, #tpu.memory_space<hbm>> -> memref<80x128xbf16, #tpu.memory_space<hbm>>
        %dma_start3A_101 = arith.constant 0 : i32
        %dma_start3A_102 = tpu.memref_slice %arg5[%add3A_67, %dma_start3A_101] : memref<320000x128xbf16, #tpu.memory_space<hbm>> -> memref<80x128xbf16, #tpu.memory_space<hbm>>
        tpu.enqueue_dma source(%arg9 : memref<80x128xbf16, #tpu.memory_space<vmem>>) target(%dma_start3A_102 : memref<80x128xbf16, #tpu.memory_space<hbm>>) target_semaphore(%run_scoped3A : memref<!tpu.dma_semaphore, #tpu.memory_space<semaphore_mem>>)
        %dma_wait3A_103 = arith.constant 0 : i32
        %dma_wait3A_104 = tpu.memref_slice %arg5[%add3A_67, %dma_wait3A_103] : memref<320000x128xbf16, #tpu.memory_space<hbm>> -> memref<80x128xbf16, #tpu.memory_space<hbm>>
        %dma_wait3A_105 = arith.constant 0 : i32
        %dma_wait3A_106 = tpu.memref_slice %arg5[%add3A_67, %dma_wait3A_105] : memref<320000x128xbf16, #tpu.memory_space<hbm>> -> memref<80x128xbf16, #tpu.memory_space<hbm>>
        tpu.wait_dma2 semaphore(%run_scoped3A : memref<!tpu.dma_semaphore, #tpu.memory_space<semaphore_mem>>) src(%arg9 : memref<80x128xbf16, #tpu.memory_space<vmem>>) dst(%dma_wait3A_106 : memref<80x128xbf16, #tpu.memory_space<hbm>>)
        tpu.yield
      }) : () -> ()
      "tpu.region"() ({
        %run_scoped3A = tpu.sem_alloc : memref<!tpu.dma_semaphore, #tpu.memory_space<semaphore_mem>>
        %dma_start3A_99 = arith.constant 0 : i32
        %dma_start3A_100 = tpu.memref_slice %arg6[%add3A_67, %dma_start3A_99] : memref<320000x128xbf16, #tpu.memory_space<hbm>> -> memref<80x128xbf16, #tpu.memory_space<hbm>>
        %dma_start3A_101 = arith.constant 0 : i32
        %dma_start3A_102 = tpu.memref_slice %arg6[%add3A_67, %dma_start3A_101] : memref<320000x128xbf16, #tpu.memory_space<hbm>> -> memref<80x128xbf16, #tpu.memory_space<hbm>>
        tpu.enqueue_dma source(%arg11 : memref<80x128xbf16, #tpu.memory_space<vmem>>) target(%dma_start3A_102 : memref<80x128xbf16, #tpu.memory_space<hbm>>) target_semaphore(%run_scoped3A : memref<!tpu.dma_semaphore, #tpu.memory_space<semaphore_mem>>)
        %dma_wait3A_103 = arith.constant 0 : i32
        %dma_wait3A_104 = tpu.memref_slice %arg6[%add3A_67, %dma_wait3A_103] : memref<320000x128xbf16, #tpu.memory_space<hbm>> -> memref<80x128xbf16, #tpu.memory_space<hbm>>
        %dma_wait3A_105 = arith.constant 0 : i32
        %dma_wait3A_106 = tpu.memref_slice %arg6[%add3A_67, %dma_wait3A_105] : memref<320000x128xbf16, #tpu.memory_space<hbm>> -> memref<80x128xbf16, #tpu.memory_space<hbm>>
        tpu.wait_dma2 semaphore(%run_scoped3A : memref<!tpu.dma_semaphore, #tpu.memory_space<semaphore_mem>>) src(%arg11 : memref<80x128xbf16, #tpu.memory_space<vmem>>) dst(%dma_wait3A_106 : memref<80x128xbf16, #tpu.memory_space<hbm>>)
        tpu.yield
      }) : () -> ()
      %dma_wait3A_68 = arith.constant 0 : i32
      %dma_wait3A_69 = tpu.memref_slice %arg7[%add3A_40, %dma_wait3A_68] : memref<125x80xi32, #tpu.memory_space<vmem>> -> memref<1x80xi32, #tpu.memory_space<vmem>>
      %dma_wait3A_70 = tpu.memref_squeeze %dma_wait3A_69 : memref<1x80xi32, #tpu.memory_space<vmem>> -> memref<80xi32, #tpu.memory_space<vmem>>
      %dma_wait3A_71 = arith.constant 0 : i32
      %dma_wait3A_72 = arith.constant 0 : i32
      %dma_wait3A_73 = tpu.memref_slice %arg2[%dma_wait3A_71, %dma_wait3A_72] : memref<10000x128xbf16, #tpu.memory_space<hbm>> -> memref<10000x128xbf16, #tpu.memory_space<hbm>>
      tpu.wait_indirect_dma semaphore(%arg14 : memref<!tpu.dma_semaphore, #tpu.memory_space<semaphore_mem>>) src(%dma_wait3A_73 : memref<10000x128xbf16, #tpu.memory_space<hbm>>) dst(%arg10 : memref<80x128xbf16, #tpu.memory_space<vmem>>)
      %dma_wait3A_74 = arith.constant 0 : i32
      %dma_wait3A_75 = tpu.memref_slice %arg8[%add3A_40, %dma_wait3A_74] : memref<125x80xi32, #tpu.memory_space<vmem>> -> memref<1x80xi32, #tpu.memory_space<vmem>>
      %dma_wait3A_76 = tpu.memref_squeeze %dma_wait3A_75 : memref<1x80xi32, #tpu.memory_space<vmem>> -> memref<80xi32, #tpu.memory_space<vmem>>
      %dma_wait3A_77 = arith.constant 0 : i32
      %dma_wait3A_78 = arith.constant 0 : i32
      %dma_wait3A_79 = tpu.memref_slice %arg2[%dma_wait3A_77, %dma_wait3A_78] : memref<10000x128xbf16, #tpu.memory_space<hbm>> -> memref<10000x128xbf16, #tpu.memory_space<hbm>>
      tpu.wait_indirect_dma semaphore(%arg16 : memref<!tpu.dma_semaphore, #tpu.memory_space<semaphore_mem>>) src(%dma_wait3A_79 : memref<10000x128xbf16, #tpu.memory_space<hbm>>) dst(%arg12 : memref<80x128xbf16, #tpu.memory_space<vmem>>)
      %add3A_80 = arith.constant 2 : i32
      %add3A_81 = arith.addi %mul3A_38, %add3A_80 : i32
      %dma_start3A_82 = arith.constant 0 : i32
      %dma_start3A_83 = tpu.memref_slice %arg7[%add3A_81, %dma_start3A_82] : memref<125x80xi32, #tpu.memory_space<vmem>> -> memref<1x80xi32, #tpu.memory_space<vmem>>
      %dma_start3A_84 = tpu.memref_squeeze %dma_start3A_83 : memref<1x80xi32, #tpu.memory_space<vmem>> -> memref<80xi32, #tpu.memory_space<vmem>>
      %dma_start3A_85 = arith.constant 0 : i32
      %dma_start3A_86 = arith.constant 0 : i32
      %dma_start3A_87 = tpu.memref_slice %arg2[%dma_start3A_85, %dma_start3A_86] : memref<10000x128xbf16, #tpu.memory_space<hbm>> -> memref<10000x128xbf16, #tpu.memory_space<hbm>>
      tpu.enqueue_indirect_dma source(%dma_start3A_87 : memref<10000x128xbf16, #tpu.memory_space<hbm>>) target(%arg9 : memref<80x128xbf16, #tpu.memory_space<vmem>>) offsets(%dma_start3A_84 : memref<80xi32, #tpu.memory_space<vmem>>) semaphore(%arg13 : memref<!tpu.dma_semaphore, #tpu.memory_space<semaphore_mem>>)
      %add3A_88 = arith.constant 2 : i32
      %add3A_89 = arith.addi %mul3A_38, %add3A_88 : i32
      %dma_start3A_90 = arith.constant 0 : i32
      %dma_start3A_91 = tpu.memref_slice %arg8[%add3A_89, %dma_start3A_90] : memref<125x80xi32, #tpu.memory_space<vmem>> -> memref<1x80xi32, #tpu.memory_space<vmem>>
      %dma_start3A_92 = tpu.memref_squeeze %dma_start3A_91 : memref<1x80xi32, #tpu.memory_space<vmem>> -> memref<80xi32, #tpu.memory_space<vmem>>
      %dma_start3A_93 = arith.constant 0 : i32
      %dma_start3A_94 = arith.constant 0 : i32
      %dma_start3A_95 = tpu.memref_slice %arg2[%dma_start3A_93, %dma_start3A_94] : memref<10000x128xbf16, #tpu.memory_space<hbm>> -> memref<10000x128xbf16, #tpu.memory_space<hbm>>
      tpu.enqueue_indirect_dma source(%dma_start3A_95 : memref<10000x128xbf16, #tpu.memory_space<hbm>>) target(%arg11 : memref<80x128xbf16, #tpu.memory_space<vmem>>) offsets(%dma_start3A_92 : memref<80xi32, #tpu.memory_space<vmem>>) semaphore(%arg15 : memref<!tpu.dma_semaphore, #tpu.memory_space<semaphore_mem>>)
      %mul3A_96 = arith.constant 80 : i32
      %mul3A_97 = arith.muli %add3A_40, %mul3A_96 : i32
      %add3A_98 = arith.addi %mul3A_2, %mul3A_97 : i32
      "tpu.region"() ({
        %run_scoped3A = tpu.sem_alloc : memref<!tpu.dma_semaphore, #tpu.memory_space<semaphore_mem>>
        %dma_start3A_99 = arith.constant 0 : i32
        %dma_start3A_100 = tpu.memref_slice %arg5[%add3A_98, %dma_start3A_99] : memref<320000x128xbf16, #tpu.memory_space<hbm>> -> memref<80x128xbf16, #tpu.memory_space<hbm>>
        %dma_start3A_101 = arith.constant 0 : i32
        %dma_start3A_102 = tpu.memref_slice %arg5[%add3A_98, %dma_start3A_101] : memref<320000x128xbf16, #tpu.memory_space<hbm>> -> memref<80x128xbf16, #tpu.memory_space<hbm>>
        tpu.enqueue_dma source(%arg10 : memref<80x128xbf16, #tpu.memory_space<vmem>>) target(%dma_start3A_102 : memref<80x128xbf16, #tpu.memory_space<hbm>>) target_semaphore(%run_scoped3A : memref<!tpu.dma_semaphore, #tpu.memory_space<semaphore_mem>>)
        %dma_wait3A_103 = arith.constant 0 : i32
        %dma_wait3A_104 = tpu.memref_slice %arg5[%add3A_98, %dma_wait3A_103] : memref<320000x128xbf16, #tpu.memory_space<hbm>> -> memref<80x128xbf16, #tpu.memory_space<hbm>>
        %dma_wait3A_105 = arith.constant 0 : i32
        %dma_wait3A_106 = tpu.memref_slice %arg5[%add3A_98, %dma_wait3A_105] : memref<320000x128xbf16, #tpu.memory_space<hbm>> -> memref<80x128xbf16, #tpu.memory_space<hbm>>
        tpu.wait_dma2 semaphore(%run_scoped3A : memref<!tpu.dma_semaphore, #tpu.memory_space<semaphore_mem>>) src(%arg10 : memref<80x128xbf16, #tpu.memory_space<vmem>>) dst(%dma_wait3A_106 : memref<80x128xbf16, #tpu.memory_space<hbm>>)
        tpu.yield
      }) : () -> ()
      "tpu.region"() ({
        %run_scoped3A = tpu.sem_alloc : memref<!tpu.dma_semaphore, #tpu.memory_space<semaphore_mem>>
        %dma_start3A_99 = arith.constant 0 : i32
        %dma_start3A_100 = tpu.memref_slice %arg6[%add3A_98, %dma_start3A_99] : memref<320000x128xbf16, #tpu.memory_space<hbm>> -> memref<80x128xbf16, #tpu.memory_space<hbm>>
        %dma_start3A_101 = arith.constant 0 : i32
        %dma_start3A_102 = tpu.memref_slice %arg6[%add3A_98, %dma_start3A_101] : memref<320000x128xbf16, #tpu.memory_space<hbm>> -> memref<80x128xbf16, #tpu.memory_space<hbm>>
        tpu.enqueue_dma source(%arg12 : memref<80x128xbf16, #tpu.memory_space<vmem>>) target(%dma_start3A_102 : memref<80x128xbf16, #tpu.memory_space<hbm>>) target_semaphore(%run_scoped3A : memref<!tpu.dma_semaphore, #tpu.memory_space<semaphore_mem>>)
        %dma_wait3A_103 = arith.constant 0 : i32
        %dma_wait3A_104 = tpu.memref_slice %arg6[%add3A_98, %dma_wait3A_103] : memref<320000x128xbf16, #tpu.memory_space<hbm>> -> memref<80x128xbf16, #tpu.memory_space<hbm>>
        %dma_wait3A_105 = arith.constant 0 : i32
        %dma_wait3A_106 = tpu.memref_slice %arg6[%add3A_98, %dma_wait3A_105] : memref<320000x128xbf16, #tpu.memory_space<hbm>> -> memref<80x128xbf16, #tpu.memory_space<hbm>>
        tpu.wait_dma2 semaphore(%run_scoped3A : memref<!tpu.dma_semaphore, #tpu.memory_space<semaphore_mem>>) src(%arg12 : memref<80x128xbf16, #tpu.memory_space<vmem>>) dst(%dma_wait3A_106 : memref<80x128xbf16, #tpu.memory_space<hbm>>)
        tpu.yield
      }) : () -> ()
    }
    %scan3A_20 = arith.constant 62 : i32
    %dma_wait3A = arith.constant 124 : i32
    %dma_wait3A_21 = arith.constant 0 : i32
    %dma_wait3A_22 = tpu.memref_slice %arg7[%dma_wait3A, %dma_wait3A_21] : memref<125x80xi32, #tpu.memory_space<vmem>> -> memref<1x80xi32, #tpu.memory_space<vmem>>
    %dma_wait3A_23 = tpu.memref_squeeze %dma_wait3A_22 : memref<1x80xi32, #tpu.memory_space<vmem>> -> memref<80xi32, #tpu.memory_space<vmem>>
    %dma_wait3A_24 = arith.constant 0 : i32
    %dma_wait3A_25 = arith.constant 0 : i32
    %dma_wait3A_26 = tpu.memref_slice %arg2[%dma_wait3A_24, %dma_wait3A_25] : memref<10000x128xbf16, #tpu.memory_space<hbm>> -> memref<10000x128xbf16, #tpu.memory_space<hbm>>
    tpu.wait_indirect_dma semaphore(%arg13 : memref<!tpu.dma_semaphore, #tpu.memory_space<semaphore_mem>>) src(%dma_wait3A_26 : memref<10000x128xbf16, #tpu.memory_space<hbm>>) dst(%arg9 : memref<80x128xbf16, #tpu.memory_space<vmem>>)
    %dma_wait3A_27 = arith.constant 124 : i32
    %dma_wait3A_28 = arith.constant 0 : i32
    %dma_wait3A_29 = tpu.memref_slice %arg8[%dma_wait3A_27, %dma_wait3A_28] : memref<125x80xi32, #tpu.memory_space<vmem>> -> memref<1x80xi32, #tpu.memory_space<vmem>>
    %dma_wait3A_30 = tpu.memref_squeeze %dma_wait3A_29 : memref<1x80xi32, #tpu.memory_space<vmem>> -> memref<80xi32, #tpu.memory_space<vmem>>
    %dma_wait3A_31 = arith.constant 0 : i32
    %dma_wait3A_32 = arith.constant 0 : i32
    %dma_wait3A_33 = tpu.memref_slice %arg2[%dma_wait3A_31, %dma_wait3A_32] : memref<10000x128xbf16, #tpu.memory_space<hbm>> -> memref<10000x128xbf16, #tpu.memory_space<hbm>>
    tpu.wait_indirect_dma semaphore(%arg15 : memref<!tpu.dma_semaphore, #tpu.memory_space<semaphore_mem>>) src(%dma_wait3A_33 : memref<10000x128xbf16, #tpu.memory_space<hbm>>) dst(%arg11 : memref<80x128xbf16, #tpu.memory_space<vmem>>)
    %add3A_34 = arith.constant 9920 : i32
    %add3A_35 = arith.addi %mul3A_2, %add3A_34 : i32
    "tpu.region"() ({
      %run_scoped3A = tpu.sem_alloc : memref<!tpu.dma_semaphore, #tpu.memory_space<semaphore_mem>>
      %dma_start3A_36 = arith.constant 0 : i32
      %dma_start3A_37 = tpu.memref_slice %arg5[%add3A_35, %dma_start3A_36] : memref<320000x128xbf16, #tpu.memory_space<hbm>> -> memref<80x128xbf16, #tpu.memory_space<hbm>>
      %dma_start3A_38 = arith.constant 0 : i32
      %dma_start3A_39 = tpu.memref_slice %arg5[%add3A_35, %dma_start3A_38] : memref<320000x128xbf16, #tpu.memory_space<hbm>> -> memref<80x128xbf16, #tpu.memory_space<hbm>>
      tpu.enqueue_dma source(%arg9 : memref<80x128xbf16, #tpu.memory_space<vmem>>) target(%dma_start3A_39 : memref<80x128xbf16, #tpu.memory_space<hbm>>) target_semaphore(%run_scoped3A : memref<!tpu.dma_semaphore, #tpu.memory_space<semaphore_mem>>)
      %dma_wait3A_40 = arith.constant 0 : i32
      %dma_wait3A_41 = tpu.memref_slice %arg5[%add3A_35, %dma_wait3A_40] : memref<320000x128xbf16, #tpu.memory_space<hbm>> -> memref<80x128xbf16, #tpu.memory_space<hbm>>
      %dma_wait3A_42 = arith.constant 0 : i32
      %dma_wait3A_43 = tpu.memref_slice %arg5[%add3A_35, %dma_wait3A_42] : memref<320000x128xbf16, #tpu.memory_space<hbm>> -> memref<80x128xbf16, #tpu.memory_space<hbm>>
      tpu.wait_dma2 semaphore(%run_scoped3A : memref<!tpu.dma_semaphore, #tpu.memory_space<semaphore_mem>>) src(%arg9 : memref<80x128xbf16, #tpu.memory_space<vmem>>) dst(%dma_wait3A_43 : memref<80x128xbf16, #tpu.memory_space<hbm>>)
      tpu.yield
    }) : () -> ()
    "tpu.region"() ({
      %run_scoped3A = tpu.sem_alloc : memref<!tpu.dma_semaphore, #tpu.memory_space<semaphore_mem>>
      %dma_start3A_36 = arith.constant 0 : i32
      %dma_start3A_37 = tpu.memref_slice %arg6[%add3A_35, %dma_start3A_36] : memref<320000x128xbf16, #tpu.memory_space<hbm>> -> memref<80x128xbf16, #tpu.memory_space<hbm>>
      %dma_start3A_38 = arith.constant 0 : i32
      %dma_start3A_39 = tpu.memref_slice %arg6[%add3A_35, %dma_start3A_38] : memref<320000x128xbf16, #tpu.memory_space<hbm>> -> memref<80x128xbf16, #tpu.memory_space<hbm>>
      tpu.enqueue_dma source(%arg11 : memref<80x128xbf16, #tpu.memory_space<vmem>>) target(%dma_start3A_39 : memref<80x128xbf16, #tpu.memory_space<hbm>>) target_semaphore(%run_scoped3A : memref<!tpu.dma_semaphore, #tpu.memory_space<semaphore_mem>>)
      %dma_wait3A_40 = arith.constant 0 : i32
      %dma_wait3A_41 = tpu.memref_slice %arg6[%add3A_35, %dma_wait3A_40] : memref<320000x128xbf16, #tpu.memory_space<hbm>> -> memref<80x128xbf16, #tpu.memory_space<hbm>>
      %dma_wait3A_42 = arith.constant 0 : i32
      %dma_wait3A_43 = tpu.memref_slice %arg6[%add3A_35, %dma_wait3A_42] : memref<320000x128xbf16, #tpu.memory_space<hbm>> -> memref<80x128xbf16, #tpu.memory_space<hbm>>
      tpu.wait_dma2 semaphore(%run_scoped3A : memref<!tpu.dma_semaphore, #tpu.memory_space<semaphore_mem>>) src(%arg11 : memref<80x128xbf16, #tpu.memory_space<vmem>>) dst(%dma_wait3A_43 : memref<80x128xbf16, #tpu.memory_space<hbm>>)
      tpu.yield
    }) : () -> ()
    return
  }
}

#map = affine_map<(d0, d1) -> (0, 0)>
#map1 = affine_map<(d0, d1) -> (0, 0, 0, 0)>
#map2 = affine_map<(d0, d1) -> (0, 0, 0)>
module attributes {stable_mosaic.version = 14 : i64} {
  func.func @body_wc(%arg0: i32, %arg1: i32, %arg2: memref<10000x128xf32, #tpu.memory_space<hbm>>, %arg3: memref<32x126x2x80xi32, #tpu.memory_space<hbm>>, %arg4: memref<10112x128xf32, #tpu.memory_space<hbm>>, %arg5: memref<10112x16xf32, #tpu.memory_space<hbm>>, %arg6: memref<80x16xf32, #tpu.memory_space<hbm>>, %arg7: memref<2x10112x128xf32, #tpu.memory_space<hbm>>, %arg8: memref<2x10112x16xf32, #tpu.memory_space<hbm>>, %arg9: memref<2x80xi32, #tpu.memory_space<vmem>>, %arg10: memref<2x80xi32, #tpu.memory_space<vmem>>, %arg11: memref<80x128xf32, #tpu.memory_space<vmem>>, %arg12: memref<80x128xf32, #tpu.memory_space<vmem>>, %arg13: memref<!tpu.dma_semaphore, #tpu.memory_space<semaphore_mem>>, %arg14: memref<!tpu.dma_semaphore, #tpu.memory_space<semaphore_mem>>, %arg15: memref<!tpu.dma_semaphore, #tpu.memory_space<semaphore_mem>>, %arg16: memref<!tpu.dma_semaphore, #tpu.memory_space<semaphore_mem>>, %arg17: memref<80x16xf32, #tpu.memory_space<vmem>>, %arg18: memref<10112x16xf32, #tpu.memory_space<vmem_shared>>, %arg19: memref<10112x128xf32, #tpu.memory_space<vmem_shared>>) attributes {dimension_semantics = [#tpu.dimension_semantics<core_parallel>, #tpu.dimension_semantics<subcore_parallel>], iteration_bounds = array<i64: 2, 16>, scalar_prefetch = 0 : i64, scratch_operands = 11 : i64, tpu.core_type = #tpu.core_type<sc_vector_subcore>, window_params = [{transform_indices = #map}, {transform_indices = #map1}, {transform_indices = #map}, {transform_indices = #map}, {transform_indices = #map}, {transform_indices = #map2}, {transform_indices = #map2}]} {
    %mul3A = arith.constant 16 : i32
    %mul3A_0 = arith.muli %arg0, %mul3A : i32
    %add3A = arith.addi %mul3A_0, %arg1 : i32
    %mul3A_1 = arith.constant 632 : i32
    %mul3A_2 = arith.muli %arg1, %mul3A_1 : i32
    %run_scoped3A = arith.constant 0 : i32
    "tpu.region"() ({
      %run_scoped3A_41 = tpu.sem_alloc : memref<!tpu.dma_semaphore, #tpu.memory_space<semaphore_mem>>
      %dma_start3A_42 = arith.constant 0 : i32
      %dma_start3A_43 = arith.constant 0 : i32
      %dma_start3A_44 = tpu.memref_slice %arg3[%add3A, %run_scoped3A, %dma_start3A_42, %dma_start3A_43] : memref<32x126x2x80xi32, #tpu.memory_space<hbm>> -> memref<1x1x2x80xi32, #tpu.memory_space<hbm>>
      %dma_start3A_45 = tpu.memref_squeeze %dma_start3A_44 : memref<1x1x2x80xi32, #tpu.memory_space<hbm>> -> memref<2x80xi32, #tpu.memory_space<hbm>>
      %dma_start3A_46 = arith.constant 0 : i32
      %dma_start3A_47 = arith.constant 0 : i32
      %dma_start3A_48 = tpu.memref_slice %arg3[%add3A, %run_scoped3A, %dma_start3A_46, %dma_start3A_47] : memref<32x126x2x80xi32, #tpu.memory_space<hbm>> -> memref<1x1x2x80xi32, #tpu.memory_space<hbm>>
      %dma_start3A_49 = tpu.memref_squeeze %dma_start3A_48 : memref<1x1x2x80xi32, #tpu.memory_space<hbm>> -> memref<2x80xi32, #tpu.memory_space<hbm>>
      tpu.enqueue_dma source(%dma_start3A_49 : memref<2x80xi32, #tpu.memory_space<hbm>>) target(%arg9 : memref<2x80xi32, #tpu.memory_space<vmem>>) target_semaphore(%run_scoped3A_41 : memref<!tpu.dma_semaphore, #tpu.memory_space<semaphore_mem>>)
      %dma_wait3A_50 = arith.constant 0 : i32
      %dma_wait3A_51 = arith.constant 0 : i32
      %dma_wait3A_52 = tpu.memref_slice %arg3[%add3A, %run_scoped3A, %dma_wait3A_50, %dma_wait3A_51] : memref<32x126x2x80xi32, #tpu.memory_space<hbm>> -> memref<1x1x2x80xi32, #tpu.memory_space<hbm>>
      %dma_wait3A_53 = tpu.memref_squeeze %dma_wait3A_52 : memref<1x1x2x80xi32, #tpu.memory_space<hbm>> -> memref<2x80xi32, #tpu.memory_space<hbm>>
      %dma_wait3A_54 = arith.constant 0 : i32
      %dma_wait3A_55 = arith.constant 0 : i32
      %dma_wait3A_56 = tpu.memref_slice %arg3[%add3A, %run_scoped3A, %dma_wait3A_54, %dma_wait3A_55] : memref<32x126x2x80xi32, #tpu.memory_space<hbm>> -> memref<1x1x2x80xi32, #tpu.memory_space<hbm>>
      %dma_wait3A_57 = tpu.memref_squeeze %dma_wait3A_56 : memref<1x1x2x80xi32, #tpu.memory_space<hbm>> -> memref<2x80xi32, #tpu.memory_space<hbm>>
      tpu.wait_dma2 semaphore(%run_scoped3A_41 : memref<!tpu.dma_semaphore, #tpu.memory_space<semaphore_mem>>) src(%dma_wait3A_57 : memref<2x80xi32, #tpu.memory_space<hbm>>) dst(%arg9 : memref<2x80xi32, #tpu.memory_space<vmem>>)
      tpu.yield
    }) : () -> ()
    "tpu.region"() ({
      %run_scoped3A_41 = tpu.sem_alloc : memref<!tpu.dma_semaphore, #tpu.memory_space<semaphore_mem>>
      %dma_start3A_42 = arith.constant 0 : i32
      %dma_start3A_43 = tpu.memref_slice %arg19[%mul3A_2, %dma_start3A_42] : memref<10112x128xf32, #tpu.memory_space<vmem_shared>> -> memref<632x128xf32, #tpu.memory_space<vmem_shared>>
      %dma_start3A_44 = arith.constant 0 : i32
      %dma_start3A_45 = tpu.memref_slice %arg4[%mul3A_2, %dma_start3A_44] : memref<10112x128xf32, #tpu.memory_space<hbm>> -> memref<632x128xf32, #tpu.memory_space<hbm>>
      tpu.enqueue_dma source(%dma_start3A_45 : memref<632x128xf32, #tpu.memory_space<hbm>>) target(%dma_start3A_43 : memref<632x128xf32, #tpu.memory_space<vmem_shared>>) target_semaphore(%run_scoped3A_41 : memref<!tpu.dma_semaphore, #tpu.memory_space<semaphore_mem>>)
      %dma_wait3A_46 = arith.constant 0 : i32
      %dma_wait3A_47 = tpu.memref_slice %arg19[%mul3A_2, %dma_wait3A_46] : memref<10112x128xf32, #tpu.memory_space<vmem_shared>> -> memref<632x128xf32, #tpu.memory_space<vmem_shared>>
      %dma_wait3A_48 = arith.constant 0 : i32
      %dma_wait3A_49 = tpu.memref_slice %arg4[%mul3A_2, %dma_wait3A_48] : memref<10112x128xf32, #tpu.memory_space<hbm>> -> memref<632x128xf32, #tpu.memory_space<hbm>>
      tpu.wait_dma2 semaphore(%run_scoped3A_41 : memref<!tpu.dma_semaphore, #tpu.memory_space<semaphore_mem>>) src(%dma_wait3A_49 : memref<632x128xf32, #tpu.memory_space<hbm>>) dst(%dma_wait3A_47 : memref<632x128xf32, #tpu.memory_space<vmem_shared>>)
      tpu.yield
    }) : () -> ()
    "tpu.region"() ({
      %run_scoped3A_41 = tpu.sem_alloc : memref<!tpu.dma_semaphore, #tpu.memory_space<semaphore_mem>>
      %dma_start3A_42 = arith.constant 0 : i32
      %dma_start3A_43 = tpu.memref_slice %arg18[%mul3A_2, %dma_start3A_42] : memref<10112x16xf32, #tpu.memory_space<vmem_shared>> -> memref<632x16xf32, #tpu.memory_space<vmem_shared>>
      %dma_start3A_44 = arith.constant 0 : i32
      %dma_start3A_45 = tpu.memref_slice %arg5[%mul3A_2, %dma_start3A_44] : memref<10112x16xf32, #tpu.memory_space<hbm>> -> memref<632x16xf32, #tpu.memory_space<hbm>>
      tpu.enqueue_dma source(%dma_start3A_45 : memref<632x16xf32, #tpu.memory_space<hbm>>) target(%dma_start3A_43 : memref<632x16xf32, #tpu.memory_space<vmem_shared>>) target_semaphore(%run_scoped3A_41 : memref<!tpu.dma_semaphore, #tpu.memory_space<semaphore_mem>>)
      %dma_wait3A_46 = arith.constant 0 : i32
      %dma_wait3A_47 = tpu.memref_slice %arg18[%mul3A_2, %dma_wait3A_46] : memref<10112x16xf32, #tpu.memory_space<vmem_shared>> -> memref<632x16xf32, #tpu.memory_space<vmem_shared>>
      %dma_wait3A_48 = arith.constant 0 : i32
      %dma_wait3A_49 = tpu.memref_slice %arg5[%mul3A_2, %dma_wait3A_48] : memref<10112x16xf32, #tpu.memory_space<hbm>> -> memref<632x16xf32, #tpu.memory_space<hbm>>
      tpu.wait_dma2 semaphore(%run_scoped3A_41 : memref<!tpu.dma_semaphore, #tpu.memory_space<semaphore_mem>>) src(%dma_wait3A_49 : memref<632x16xf32, #tpu.memory_space<hbm>>) dst(%dma_wait3A_47 : memref<632x16xf32, #tpu.memory_space<vmem_shared>>)
      tpu.yield
    }) : () -> ()
    "tpu.region"() ({
      %run_scoped3A_41 = tpu.sem_alloc : memref<!tpu.dma_semaphore, #tpu.memory_space<semaphore_mem>>
      tpu.enqueue_dma source(%arg6 : memref<80x16xf32, #tpu.memory_space<hbm>>) target(%arg17 : memref<80x16xf32, #tpu.memory_space<vmem>>) target_semaphore(%run_scoped3A_41 : memref<!tpu.dma_semaphore, #tpu.memory_space<semaphore_mem>>)
      tpu.wait_dma2 semaphore(%run_scoped3A_41 : memref<!tpu.dma_semaphore, #tpu.memory_space<semaphore_mem>>) src(%arg6 : memref<80x16xf32, #tpu.memory_space<hbm>>) dst(%arg17 : memref<80x16xf32, #tpu.memory_space<vmem>>)
      tpu.yield
    }) : () -> ()
    %barrier3A = arith.constant 0 : index
    tpu.barrier barrier_id(%barrier3A)
    %dma_start3A = arith.constant 0 : i32
    %dma_start3A_3 = arith.constant 0 : i32
    %dma_start3A_4 = tpu.memref_slice %arg9[%dma_start3A, %dma_start3A_3] : memref<2x80xi32, #tpu.memory_space<vmem>> -> memref<1x80xi32, #tpu.memory_space<vmem>>
    %dma_start3A_5 = tpu.memref_squeeze %dma_start3A_4 : memref<1x80xi32, #tpu.memory_space<vmem>> -> memref<80xi32, #tpu.memory_space<vmem>>
    %dma_start3A_6 = arith.constant 0 : i32
    %dma_start3A_7 = arith.constant 0 : i32
    %dma_start3A_8 = tpu.memref_slice %arg2[%dma_start3A_6, %dma_start3A_7] : memref<10000x128xf32, #tpu.memory_space<hbm>> -> memref<10000x128xf32, #tpu.memory_space<hbm>>
    tpu.enqueue_indirect_dma source(%dma_start3A_8 : memref<10000x128xf32, #tpu.memory_space<hbm>>) target(%arg11 : memref<80x128xf32, #tpu.memory_space<vmem>>) offsets(%dma_start3A_5 : memref<80xi32, #tpu.memory_space<vmem>>) semaphore(%arg13 : memref<!tpu.dma_semaphore, #tpu.memory_space<semaphore_mem>>)
    %dma_start3A_9 = arith.constant 1 : i32
    %dma_start3A_10 = arith.constant 0 : i32
    %dma_start3A_11 = arith.constant 0 : i32
    %dma_start3A_12 = tpu.memref_slice %arg3[%add3A, %dma_start3A_9, %dma_start3A_10, %dma_start3A_11] : memref<32x126x2x80xi32, #tpu.memory_space<hbm>> -> memref<1x1x2x80xi32, #tpu.memory_space<hbm>>
    %dma_start3A_13 = tpu.memref_squeeze %dma_start3A_12 : memref<1x1x2x80xi32, #tpu.memory_space<hbm>> -> memref<2x80xi32, #tpu.memory_space<hbm>>
    %dma_start3A_14 = arith.constant 0 : i32
    %dma_start3A_15 = arith.constant 0 : i32
    %dma_start3A_16 = tpu.memref_slice %arg3[%add3A, %dma_start3A_9, %dma_start3A_14, %dma_start3A_15] : memref<32x126x2x80xi32, #tpu.memory_space<hbm>> -> memref<1x1x2x80xi32, #tpu.memory_space<hbm>>
    %dma_start3A_17 = tpu.memref_squeeze %dma_start3A_16 : memref<1x1x2x80xi32, #tpu.memory_space<hbm>> -> memref<2x80xi32, #tpu.memory_space<hbm>>
    tpu.enqueue_dma source(%dma_start3A_17 : memref<2x80xi32, #tpu.memory_space<hbm>>) target(%arg10 : memref<2x80xi32, #tpu.memory_space<vmem>>) target_semaphore(%arg16 : memref<!tpu.dma_semaphore, #tpu.memory_space<semaphore_mem>>)
    %scan3A = arith.constant 0 : i32
    %scan3A_18 = arith.constant 0 : i32
    %scan3A_19 = arith.constant 62 : i32
    %scan3A_20 = arith.addi %scan3A_18, %scan3A_19 : i32
    %scan3A_21 = arith.constant 1 : i32
    scf.for %scan3A_41 = %scan3A_18 to %scan3A_20 step %scan3A_21  : i32 {
      %mul3A_42 = arith.constant 2 : i32
      %mul3A_43 = arith.muli %mul3A_42, %scan3A_41 : i32
      %add3A_44 = arith.constant 1 : i32
      %add3A_45 = arith.addi %mul3A_43, %add3A_44 : i32
      %dma_wait3A_46 = arith.constant 0 : i32
      %dma_wait3A_47 = arith.constant 0 : i32
      %dma_wait3A_48 = tpu.memref_slice %arg9[%dma_wait3A_46, %dma_wait3A_47] : memref<2x80xi32, #tpu.memory_space<vmem>> -> memref<1x80xi32, #tpu.memory_space<vmem>>
      %dma_wait3A_49 = tpu.memref_squeeze %dma_wait3A_48 : memref<1x80xi32, #tpu.memory_space<vmem>> -> memref<80xi32, #tpu.memory_space<vmem>>
      %dma_wait3A_50 = arith.constant 0 : i32
      %dma_wait3A_51 = arith.constant 0 : i32
      %dma_wait3A_52 = tpu.memref_slice %arg2[%dma_wait3A_50, %dma_wait3A_51] : memref<10000x128xf32, #tpu.memory_space<hbm>> -> memref<10000x128xf32, #tpu.memory_space<hbm>>
      tpu.wait_indirect_dma semaphore(%arg13 : memref<!tpu.dma_semaphore, #tpu.memory_space<semaphore_mem>>) src(%dma_wait3A_52 : memref<10000x128xf32, #tpu.memory_space<hbm>>) dst(%arg11 : memref<80x128xf32, #tpu.memory_space<vmem>>)
      %dma_wait3A_53 = arith.constant 0 : i32
      %dma_wait3A_54 = arith.constant 0 : i32
      %dma_wait3A_55 = tpu.memref_slice %arg3[%add3A, %add3A_45, %dma_wait3A_53, %dma_wait3A_54] : memref<32x126x2x80xi32, #tpu.memory_space<hbm>> -> memref<1x1x2x80xi32, #tpu.memory_space<hbm>>
      %dma_wait3A_56 = tpu.memref_squeeze %dma_wait3A_55 : memref<1x1x2x80xi32, #tpu.memory_space<hbm>> -> memref<2x80xi32, #tpu.memory_space<hbm>>
      %dma_wait3A_57 = arith.constant 0 : i32
      %dma_wait3A_58 = arith.constant 0 : i32
      %dma_wait3A_59 = tpu.memref_slice %arg3[%add3A, %add3A_45, %dma_wait3A_57, %dma_wait3A_58] : memref<32x126x2x80xi32, #tpu.memory_space<hbm>> -> memref<1x1x2x80xi32, #tpu.memory_space<hbm>>
      %dma_wait3A_60 = tpu.memref_squeeze %dma_wait3A_59 : memref<1x1x2x80xi32, #tpu.memory_space<hbm>> -> memref<2x80xi32, #tpu.memory_space<hbm>>
      tpu.wait_dma2 semaphore(%arg16 : memref<!tpu.dma_semaphore, #tpu.memory_space<semaphore_mem>>) src(%dma_wait3A_60 : memref<2x80xi32, #tpu.memory_space<hbm>>) dst(%arg10 : memref<2x80xi32, #tpu.memory_space<vmem>>)
      %dma_start3A_61 = arith.constant 0 : i32
      %dma_start3A_62 = arith.constant 0 : i32
      %dma_start3A_63 = tpu.memref_slice %arg10[%dma_start3A_61, %dma_start3A_62] : memref<2x80xi32, #tpu.memory_space<vmem>> -> memref<1x80xi32, #tpu.memory_space<vmem>>
      %dma_start3A_64 = tpu.memref_squeeze %dma_start3A_63 : memref<1x80xi32, #tpu.memory_space<vmem>> -> memref<80xi32, #tpu.memory_space<vmem>>
      %dma_start3A_65 = arith.constant 0 : i32
      %dma_start3A_66 = arith.constant 0 : i32
      %dma_start3A_67 = tpu.memref_slice %arg2[%dma_start3A_65, %dma_start3A_66] : memref<10000x128xf32, #tpu.memory_space<hbm>> -> memref<10000x128xf32, #tpu.memory_space<hbm>>
      tpu.enqueue_indirect_dma source(%dma_start3A_67 : memref<10000x128xf32, #tpu.memory_space<hbm>>) target(%arg12 : memref<80x128xf32, #tpu.memory_space<vmem>>) offsets(%dma_start3A_64 : memref<80xi32, #tpu.memory_space<vmem>>) semaphore(%arg14 : memref<!tpu.dma_semaphore, #tpu.memory_space<semaphore_mem>>)
      %run_scoped3A_68 = arith.constant 1 : i32
      "tpu.region"() ({
        %run_scoped3A_116 = tpu.sem_alloc : memref<!tpu.dma_semaphore, #tpu.memory_space<semaphore_mem>>
        %dma_start3A_117 = arith.constant 0 : i32
        %dma_start3A_118 = tpu.memref_slice %arg9[%run_scoped3A_68, %dma_start3A_117] : memref<2x80xi32, #tpu.memory_space<vmem>> -> memref<1x80xi32, #tpu.memory_space<vmem>>
        %dma_start3A_119 = tpu.memref_squeeze %dma_start3A_118 : memref<1x80xi32, #tpu.memory_space<vmem>> -> memref<80xi32, #tpu.memory_space<vmem>>
        %dma_start3A_120 = arith.constant 0 : i32
        %dma_start3A_121 = arith.constant 0 : i32
        %dma_start3A_122 = tpu.memref_slice %arg19[%dma_start3A_120, %dma_start3A_121] : memref<10112x128xf32, #tpu.memory_space<vmem_shared>> -> memref<10112x128xf32, #tpu.memory_space<vmem_shared>>
        tpu.enqueue_indirect_dma source(%arg11 : memref<80x128xf32, #tpu.memory_space<vmem>>) target(%dma_start3A_122 : memref<10112x128xf32, #tpu.memory_space<vmem_shared>>) offsets(%dma_start3A_119 : memref<80xi32, #tpu.memory_space<vmem>>) semaphore(%run_scoped3A_116 : memref<!tpu.dma_semaphore, #tpu.memory_space<semaphore_mem>>) {add = true}
        %dma_wait3A_123 = arith.constant 0 : i32
        %dma_wait3A_124 = tpu.memref_slice %arg9[%run_scoped3A_68, %dma_wait3A_123] : memref<2x80xi32, #tpu.memory_space<vmem>> -> memref<1x80xi32, #tpu.memory_space<vmem>>
        %dma_wait3A_125 = tpu.memref_squeeze %dma_wait3A_124 : memref<1x80xi32, #tpu.memory_space<vmem>> -> memref<80xi32, #tpu.memory_space<vmem>>
        %dma_wait3A_126 = arith.constant 0 : i32
        %dma_wait3A_127 = arith.constant 0 : i32
        %dma_wait3A_128 = tpu.memref_slice %arg19[%dma_wait3A_126, %dma_wait3A_127] : memref<10112x128xf32, #tpu.memory_space<vmem_shared>> -> memref<10112x128xf32, #tpu.memory_space<vmem_shared>>
        tpu.wait_indirect_dma semaphore(%run_scoped3A_116 : memref<!tpu.dma_semaphore, #tpu.memory_space<semaphore_mem>>) src(%arg11 : memref<80x128xf32, #tpu.memory_space<vmem>>) dst(%dma_wait3A_128 : memref<10112x128xf32, #tpu.memory_space<vmem_shared>>)
        tpu.yield
      }) : () -> ()
      %run_scoped3A_69 = arith.constant 1 : i32
      "tpu.region"() ({
        %run_scoped3A_116 = tpu.sem_alloc : memref<!tpu.dma_semaphore, #tpu.memory_space<semaphore_mem>>
        %dma_start3A_117 = arith.constant 0 : i32
        %dma_start3A_118 = tpu.memref_slice %arg9[%run_scoped3A_69, %dma_start3A_117] : memref<2x80xi32, #tpu.memory_space<vmem>> -> memref<1x80xi32, #tpu.memory_space<vmem>>
        %dma_start3A_119 = tpu.memref_squeeze %dma_start3A_118 : memref<1x80xi32, #tpu.memory_space<vmem>> -> memref<80xi32, #tpu.memory_space<vmem>>
        %dma_start3A_120 = arith.constant 0 : i32
        %dma_start3A_121 = arith.constant 0 : i32
        %dma_start3A_122 = tpu.memref_slice %arg18[%dma_start3A_120, %dma_start3A_121] : memref<10112x16xf32, #tpu.memory_space<vmem_shared>> -> memref<10112x16xf32, #tpu.memory_space<vmem_shared>>
        tpu.enqueue_indirect_dma source(%arg17 : memref<80x16xf32, #tpu.memory_space<vmem>>) target(%dma_start3A_122 : memref<10112x16xf32, #tpu.memory_space<vmem_shared>>) offsets(%dma_start3A_119 : memref<80xi32, #tpu.memory_space<vmem>>) semaphore(%run_scoped3A_116 : memref<!tpu.dma_semaphore, #tpu.memory_space<semaphore_mem>>) {add = true}
        %dma_wait3A_123 = arith.constant 0 : i32
        %dma_wait3A_124 = tpu.memref_slice %arg9[%run_scoped3A_69, %dma_wait3A_123] : memref<2x80xi32, #tpu.memory_space<vmem>> -> memref<1x80xi32, #tpu.memory_space<vmem>>
        %dma_wait3A_125 = tpu.memref_squeeze %dma_wait3A_124 : memref<1x80xi32, #tpu.memory_space<vmem>> -> memref<80xi32, #tpu.memory_space<vmem>>
        %dma_wait3A_126 = arith.constant 0 : i32
        %dma_wait3A_127 = arith.constant 0 : i32
        %dma_wait3A_128 = tpu.memref_slice %arg18[%dma_wait3A_126, %dma_wait3A_127] : memref<10112x16xf32, #tpu.memory_space<vmem_shared>> -> memref<10112x16xf32, #tpu.memory_space<vmem_shared>>
        tpu.wait_indirect_dma semaphore(%run_scoped3A_116 : memref<!tpu.dma_semaphore, #tpu.memory_space<semaphore_mem>>) src(%arg17 : memref<80x16xf32, #tpu.memory_space<vmem>>) dst(%dma_wait3A_128 : memref<10112x16xf32, #tpu.memory_space<vmem_shared>>)
        tpu.yield
      }) : () -> ()
      %add3A_70 = arith.constant 2 : i32
      %add3A_71 = arith.addi %mul3A_43, %add3A_70 : i32
      %dma_start3A_72 = arith.constant 0 : i32
      %dma_start3A_73 = arith.constant 0 : i32
      %dma_start3A_74 = tpu.memref_slice %arg3[%add3A, %add3A_71, %dma_start3A_72, %dma_start3A_73] : memref<32x126x2x80xi32, #tpu.memory_space<hbm>> -> memref<1x1x2x80xi32, #tpu.memory_space<hbm>>
      %dma_start3A_75 = tpu.memref_squeeze %dma_start3A_74 : memref<1x1x2x80xi32, #tpu.memory_space<hbm>> -> memref<2x80xi32, #tpu.memory_space<hbm>>
      %dma_start3A_76 = arith.constant 0 : i32
      %dma_start3A_77 = arith.constant 0 : i32
      %dma_start3A_78 = tpu.memref_slice %arg3[%add3A, %add3A_71, %dma_start3A_76, %dma_start3A_77] : memref<32x126x2x80xi32, #tpu.memory_space<hbm>> -> memref<1x1x2x80xi32, #tpu.memory_space<hbm>>
      %dma_start3A_79 = tpu.memref_squeeze %dma_start3A_78 : memref<1x1x2x80xi32, #tpu.memory_space<hbm>> -> memref<2x80xi32, #tpu.memory_space<hbm>>
      tpu.enqueue_dma source(%dma_start3A_79 : memref<2x80xi32, #tpu.memory_space<hbm>>) target(%arg9 : memref<2x80xi32, #tpu.memory_space<vmem>>) target_semaphore(%arg15 : memref<!tpu.dma_semaphore, #tpu.memory_space<semaphore_mem>>)
      %dma_wait3A_80 = arith.constant 0 : i32
      %dma_wait3A_81 = arith.constant 0 : i32
      %dma_wait3A_82 = tpu.memref_slice %arg10[%dma_wait3A_80, %dma_wait3A_81] : memref<2x80xi32, #tpu.memory_space<vmem>> -> memref<1x80xi32, #tpu.memory_space<vmem>>
      %dma_wait3A_83 = tpu.memref_squeeze %dma_wait3A_82 : memref<1x80xi32, #tpu.memory_space<vmem>> -> memref<80xi32, #tpu.memory_space<vmem>>
      %dma_wait3A_84 = arith.constant 0 : i32
      %dma_wait3A_85 = arith.constant 0 : i32
      %dma_wait3A_86 = tpu.memref_slice %arg2[%dma_wait3A_84, %dma_wait3A_85] : memref<10000x128xf32, #tpu.memory_space<hbm>> -> memref<10000x128xf32, #tpu.memory_space<hbm>>
      tpu.wait_indirect_dma semaphore(%arg14 : memref<!tpu.dma_semaphore, #tpu.memory_space<semaphore_mem>>) src(%dma_wait3A_86 : memref<10000x128xf32, #tpu.memory_space<hbm>>) dst(%arg12 : memref<80x128xf32, #tpu.memory_space<vmem>>)
      %add3A_87 = arith.constant 2 : i32
      %add3A_88 = arith.addi %mul3A_43, %add3A_87 : i32
      %dma_wait3A_89 = arith.constant 0 : i32
      %dma_wait3A_90 = arith.constant 0 : i32
      %dma_wait3A_91 = tpu.memref_slice %arg3[%add3A, %add3A_88, %dma_wait3A_89, %dma_wait3A_90] : memref<32x126x2x80xi32, #tpu.memory_space<hbm>> -> memref<1x1x2x80xi32, #tpu.memory_space<hbm>>
      %dma_wait3A_92 = tpu.memref_squeeze %dma_wait3A_91 : memref<1x1x2x80xi32, #tpu.memory_space<hbm>> -> memref<2x80xi32, #tpu.memory_space<hbm>>
      %dma_wait3A_93 = arith.constant 0 : i32
      %dma_wait3A_94 = arith.constant 0 : i32
      %dma_wait3A_95 = tpu.memref_slice %arg3[%add3A, %add3A_88, %dma_wait3A_93, %dma_wait3A_94] : memref<32x126x2x80xi32, #tpu.memory_space<hbm>> -> memref<1x1x2x80xi32, #tpu.memory_space<hbm>>
      %dma_wait3A_96 = tpu.memref_squeeze %dma_wait3A_95 : memref<1x1x2x80xi32, #tpu.memory_space<hbm>> -> memref<2x80xi32, #tpu.memory_space<hbm>>
      tpu.wait_dma2 semaphore(%arg15 : memref<!tpu.dma_semaphore, #tpu.memory_space<semaphore_mem>>) src(%dma_wait3A_96 : memref<2x80xi32, #tpu.memory_space<hbm>>) dst(%arg9 : memref<2x80xi32, #tpu.memory_space<vmem>>)
      %dma_start3A_97 = arith.constant 0 : i32
      %dma_start3A_98 = arith.constant 0 : i32
      %dma_start3A_99 = tpu.memref_slice %arg9[%dma_start3A_97, %dma_start3A_98] : memref<2x80xi32, #tpu.memory_space<vmem>> -> memref<1x80xi32, #tpu.memory_space<vmem>>
      %dma_start3A_100 = tpu.memref_squeeze %dma_start3A_99 : memref<1x80xi32, #tpu.memory_space<vmem>> -> memref<80xi32, #tpu.memory_space<vmem>>
      %dma_start3A_101 = arith.constant 0 : i32
      %dma_start3A_102 = arith.constant 0 : i32
      %dma_start3A_103 = tpu.memref_slice %arg2[%dma_start3A_101, %dma_start3A_102] : memref<10000x128xf32, #tpu.memory_space<hbm>> -> memref<10000x128xf32, #tpu.memory_space<hbm>>
      tpu.enqueue_indirect_dma source(%dma_start3A_103 : memref<10000x128xf32, #tpu.memory_space<hbm>>) target(%arg11 : memref<80x128xf32, #tpu.memory_space<vmem>>) offsets(%dma_start3A_100 : memref<80xi32, #tpu.memory_space<vmem>>) semaphore(%arg13 : memref<!tpu.dma_semaphore, #tpu.memory_space<semaphore_mem>>)
      %run_scoped3A_104 = arith.constant 1 : i32
      "tpu.region"() ({
        %run_scoped3A_116 = tpu.sem_alloc : memref<!tpu.dma_semaphore, #tpu.memory_space<semaphore_mem>>
        %dma_start3A_117 = arith.constant 0 : i32
        %dma_start3A_118 = tpu.memref_slice %arg10[%run_scoped3A_104, %dma_start3A_117] : memref<2x80xi32, #tpu.memory_space<vmem>> -> memref<1x80xi32, #tpu.memory_space<vmem>>
        %dma_start3A_119 = tpu.memref_squeeze %dma_start3A_118 : memref<1x80xi32, #tpu.memory_space<vmem>> -> memref<80xi32, #tpu.memory_space<vmem>>
        %dma_start3A_120 = arith.constant 0 : i32
        %dma_start3A_121 = arith.constant 0 : i32
        %dma_start3A_122 = tpu.memref_slice %arg19[%dma_start3A_120, %dma_start3A_121] : memref<10112x128xf32, #tpu.memory_space<vmem_shared>> -> memref<10112x128xf32, #tpu.memory_space<vmem_shared>>
        tpu.enqueue_indirect_dma source(%arg12 : memref<80x128xf32, #tpu.memory_space<vmem>>) target(%dma_start3A_122 : memref<10112x128xf32, #tpu.memory_space<vmem_shared>>) offsets(%dma_start3A_119 : memref<80xi32, #tpu.memory_space<vmem>>) semaphore(%run_scoped3A_116 : memref<!tpu.dma_semaphore, #tpu.memory_space<semaphore_mem>>) {add = true}
        %dma_wait3A_123 = arith.constant 0 : i32
        %dma_wait3A_124 = tpu.memref_slice %arg10[%run_scoped3A_104, %dma_wait3A_123] : memref<2x80xi32, #tpu.memory_space<vmem>> -> memref<1x80xi32, #tpu.memory_space<vmem>>
        %dma_wait3A_125 = tpu.memref_squeeze %dma_wait3A_124 : memref<1x80xi32, #tpu.memory_space<vmem>> -> memref<80xi32, #tpu.memory_space<vmem>>
        %dma_wait3A_126 = arith.constant 0 : i32
        %dma_wait3A_127 = arith.constant 0 : i32
        %dma_wait3A_128 = tpu.memref_slice %arg19[%dma_wait3A_126, %dma_wait3A_127] : memref<10112x128xf32, #tpu.memory_space<vmem_shared>> -> memref<10112x128xf32, #tpu.memory_space<vmem_shared>>
        tpu.wait_indirect_dma semaphore(%run_scoped3A_116 : memref<!tpu.dma_semaphore, #tpu.memory_space<semaphore_mem>>) src(%arg12 : memref<80x128xf32, #tpu.memory_space<vmem>>) dst(%dma_wait3A_128 : memref<10112x128xf32, #tpu.memory_space<vmem_shared>>)
        tpu.yield
      }) : () -> ()
      %run_scoped3A_105 = arith.constant 1 : i32
      "tpu.region"() ({
        %run_scoped3A_116 = tpu.sem_alloc : memref<!tpu.dma_semaphore, #tpu.memory_space<semaphore_mem>>
        %dma_start3A_117 = arith.constant 0 : i32
        %dma_start3A_118 = tpu.memref_slice %arg10[%run_scoped3A_105, %dma_start3A_117] : memref<2x80xi32, #tpu.memory_space<vmem>> -> memref<1x80xi32, #tpu.memory_space<vmem>>
        %dma_start3A_119 = tpu.memref_squeeze %dma_start3A_118 : memref<1x80xi32, #tpu.memory_space<vmem>> -> memref<80xi32, #tpu.memory_space<vmem>>
        %dma_start3A_120 = arith.constant 0 : i32
        %dma_start3A_121 = arith.constant 0 : i32
        %dma_start3A_122 = tpu.memref_slice %arg18[%dma_start3A_120, %dma_start3A_121] : memref<10112x16xf32, #tpu.memory_space<vmem_shared>> -> memref<10112x16xf32, #tpu.memory_space<vmem_shared>>
        tpu.enqueue_indirect_dma source(%arg17 : memref<80x16xf32, #tpu.memory_space<vmem>>) target(%dma_start3A_122 : memref<10112x16xf32, #tpu.memory_space<vmem_shared>>) offsets(%dma_start3A_119 : memref<80xi32, #tpu.memory_space<vmem>>) semaphore(%run_scoped3A_116 : memref<!tpu.dma_semaphore, #tpu.memory_space<semaphore_mem>>) {add = true}
        %dma_wait3A_123 = arith.constant 0 : i32
        %dma_wait3A_124 = tpu.memref_slice %arg10[%run_scoped3A_105, %dma_wait3A_123] : memref<2x80xi32, #tpu.memory_space<vmem>> -> memref<1x80xi32, #tpu.memory_space<vmem>>
        %dma_wait3A_125 = tpu.memref_squeeze %dma_wait3A_124 : memref<1x80xi32, #tpu.memory_space<vmem>> -> memref<80xi32, #tpu.memory_space<vmem>>
        %dma_wait3A_126 = arith.constant 0 : i32
        %dma_wait3A_127 = arith.constant 0 : i32
        %dma_wait3A_128 = tpu.memref_slice %arg18[%dma_wait3A_126, %dma_wait3A_127] : memref<10112x16xf32, #tpu.memory_space<vmem_shared>> -> memref<10112x16xf32, #tpu.memory_space<vmem_shared>>
        tpu.wait_indirect_dma semaphore(%run_scoped3A_116 : memref<!tpu.dma_semaphore, #tpu.memory_space<semaphore_mem>>) src(%arg17 : memref<80x16xf32, #tpu.memory_space<vmem>>) dst(%dma_wait3A_128 : memref<10112x16xf32, #tpu.memory_space<vmem_shared>>)
        tpu.yield
      }) : () -> ()
      %add3A_106 = arith.constant 2 : i32
      %add3A_107 = arith.addi %add3A_45, %add3A_106 : i32
      %dma_start3A_108 = arith.constant 0 : i32
      %dma_start3A_109 = arith.constant 0 : i32
      %dma_start3A_110 = tpu.memref_slice %arg3[%add3A, %add3A_107, %dma_start3A_108, %dma_start3A_109] : memref<32x126x2x80xi32, #tpu.memory_space<hbm>> -> memref<1x1x2x80xi32, #tpu.memory_space<hbm>>
      %dma_start3A_111 = tpu.memref_squeeze %dma_start3A_110 : memref<1x1x2x80xi32, #tpu.memory_space<hbm>> -> memref<2x80xi32, #tpu.memory_space<hbm>>
      %dma_start3A_112 = arith.constant 0 : i32
      %dma_start3A_113 = arith.constant 0 : i32
      %dma_start3A_114 = tpu.memref_slice %arg3[%add3A, %add3A_107, %dma_start3A_112, %dma_start3A_113] : memref<32x126x2x80xi32, #tpu.memory_space<hbm>> -> memref<1x1x2x80xi32, #tpu.memory_space<hbm>>
      %dma_start3A_115 = tpu.memref_squeeze %dma_start3A_114 : memref<1x1x2x80xi32, #tpu.memory_space<hbm>> -> memref<2x80xi32, #tpu.memory_space<hbm>>
      tpu.enqueue_dma source(%dma_start3A_115 : memref<2x80xi32, #tpu.memory_space<hbm>>) target(%arg10 : memref<2x80xi32, #tpu.memory_space<vmem>>) target_semaphore(%arg16 : memref<!tpu.dma_semaphore, #tpu.memory_space<semaphore_mem>>)
    }
    %scan3A_22 = arith.constant 62 : i32
    %dma_wait3A = arith.constant 0 : i32
    %dma_wait3A_23 = arith.constant 0 : i32
    %dma_wait3A_24 = tpu.memref_slice %arg9[%dma_wait3A, %dma_wait3A_23] : memref<2x80xi32, #tpu.memory_space<vmem>> -> memref<1x80xi32, #tpu.memory_space<vmem>>
    %dma_wait3A_25 = tpu.memref_squeeze %dma_wait3A_24 : memref<1x80xi32, #tpu.memory_space<vmem>> -> memref<80xi32, #tpu.memory_space<vmem>>
    %dma_wait3A_26 = arith.constant 0 : i32
    %dma_wait3A_27 = arith.constant 0 : i32
    %dma_wait3A_28 = tpu.memref_slice %arg2[%dma_wait3A_26, %dma_wait3A_27] : memref<10000x128xf32, #tpu.memory_space<hbm>> -> memref<10000x128xf32, #tpu.memory_space<hbm>>
    tpu.wait_indirect_dma semaphore(%arg13 : memref<!tpu.dma_semaphore, #tpu.memory_space<semaphore_mem>>) src(%dma_wait3A_28 : memref<10000x128xf32, #tpu.memory_space<hbm>>) dst(%arg11 : memref<80x128xf32, #tpu.memory_space<vmem>>)
    %run_scoped3A_29 = arith.constant 1 : i32
    "tpu.region"() ({
      %run_scoped3A_41 = tpu.sem_alloc : memref<!tpu.dma_semaphore, #tpu.memory_space<semaphore_mem>>
      %dma_start3A_42 = arith.constant 0 : i32
      %dma_start3A_43 = tpu.memref_slice %arg9[%run_scoped3A_29, %dma_start3A_42] : memref<2x80xi32, #tpu.memory_space<vmem>> -> memref<1x80xi32, #tpu.memory_space<vmem>>
      %dma_start3A_44 = tpu.memref_squeeze %dma_start3A_43 : memref<1x80xi32, #tpu.memory_space<vmem>> -> memref<80xi32, #tpu.memory_space<vmem>>
      %dma_start3A_45 = arith.constant 0 : i32
      %dma_start3A_46 = arith.constant 0 : i32
      %dma_start3A_47 = tpu.memref_slice %arg19[%dma_start3A_45, %dma_start3A_46] : memref<10112x128xf32, #tpu.memory_space<vmem_shared>> -> memref<10112x128xf32, #tpu.memory_space<vmem_shared>>
      tpu.enqueue_indirect_dma source(%arg11 : memref<80x128xf32, #tpu.memory_space<vmem>>) target(%dma_start3A_47 : memref<10112x128xf32, #tpu.memory_space<vmem_shared>>) offsets(%dma_start3A_44 : memref<80xi32, #tpu.memory_space<vmem>>) semaphore(%run_scoped3A_41 : memref<!tpu.dma_semaphore, #tpu.memory_space<semaphore_mem>>) {add = true}
      %dma_wait3A_48 = arith.constant 0 : i32
      %dma_wait3A_49 = tpu.memref_slice %arg9[%run_scoped3A_29, %dma_wait3A_48] : memref<2x80xi32, #tpu.memory_space<vmem>> -> memref<1x80xi32, #tpu.memory_space<vmem>>
      %dma_wait3A_50 = tpu.memref_squeeze %dma_wait3A_49 : memref<1x80xi32, #tpu.memory_space<vmem>> -> memref<80xi32, #tpu.memory_space<vmem>>
      %dma_wait3A_51 = arith.constant 0 : i32
      %dma_wait3A_52 = arith.constant 0 : i32
      %dma_wait3A_53 = tpu.memref_slice %arg19[%dma_wait3A_51, %dma_wait3A_52] : memref<10112x128xf32, #tpu.memory_space<vmem_shared>> -> memref<10112x128xf32, #tpu.memory_space<vmem_shared>>
      tpu.wait_indirect_dma semaphore(%run_scoped3A_41 : memref<!tpu.dma_semaphore, #tpu.memory_space<semaphore_mem>>) src(%arg11 : memref<80x128xf32, #tpu.memory_space<vmem>>) dst(%dma_wait3A_53 : memref<10112x128xf32, #tpu.memory_space<vmem_shared>>)
      tpu.yield
    }) : () -> ()
    %run_scoped3A_30 = arith.constant 1 : i32
    "tpu.region"() ({
      %run_scoped3A_41 = tpu.sem_alloc : memref<!tpu.dma_semaphore, #tpu.memory_space<semaphore_mem>>
      %dma_start3A_42 = arith.constant 0 : i32
      %dma_start3A_43 = tpu.memref_slice %arg9[%run_scoped3A_30, %dma_start3A_42] : memref<2x80xi32, #tpu.memory_space<vmem>> -> memref<1x80xi32, #tpu.memory_space<vmem>>
      %dma_start3A_44 = tpu.memref_squeeze %dma_start3A_43 : memref<1x80xi32, #tpu.memory_space<vmem>> -> memref<80xi32, #tpu.memory_space<vmem>>
      %dma_start3A_45 = arith.constant 0 : i32
      %dma_start3A_46 = arith.constant 0 : i32
      %dma_start3A_47 = tpu.memref_slice %arg18[%dma_start3A_45, %dma_start3A_46] : memref<10112x16xf32, #tpu.memory_space<vmem_shared>> -> memref<10112x16xf32, #tpu.memory_space<vmem_shared>>
      tpu.enqueue_indirect_dma source(%arg17 : memref<80x16xf32, #tpu.memory_space<vmem>>) target(%dma_start3A_47 : memref<10112x16xf32, #tpu.memory_space<vmem_shared>>) offsets(%dma_start3A_44 : memref<80xi32, #tpu.memory_space<vmem>>) semaphore(%run_scoped3A_41 : memref<!tpu.dma_semaphore, #tpu.memory_space<semaphore_mem>>) {add = true}
      %dma_wait3A_48 = arith.constant 0 : i32
      %dma_wait3A_49 = tpu.memref_slice %arg9[%run_scoped3A_30, %dma_wait3A_48] : memref<2x80xi32, #tpu.memory_space<vmem>> -> memref<1x80xi32, #tpu.memory_space<vmem>>
      %dma_wait3A_50 = tpu.memref_squeeze %dma_wait3A_49 : memref<1x80xi32, #tpu.memory_space<vmem>> -> memref<80xi32, #tpu.memory_space<vmem>>
      %dma_wait3A_51 = arith.constant 0 : i32
      %dma_wait3A_52 = arith.constant 0 : i32
      %dma_wait3A_53 = tpu.memref_slice %arg18[%dma_wait3A_51, %dma_wait3A_52] : memref<10112x16xf32, #tpu.memory_space<vmem_shared>> -> memref<10112x16xf32, #tpu.memory_space<vmem_shared>>
      tpu.wait_indirect_dma semaphore(%run_scoped3A_41 : memref<!tpu.dma_semaphore, #tpu.memory_space<semaphore_mem>>) src(%arg17 : memref<80x16xf32, #tpu.memory_space<vmem>>) dst(%dma_wait3A_53 : memref<10112x16xf32, #tpu.memory_space<vmem_shared>>)
      tpu.yield
    }) : () -> ()
    %dma_wait3A_31 = arith.constant 125 : i32
    %dma_wait3A_32 = arith.constant 0 : i32
    %dma_wait3A_33 = arith.constant 0 : i32
    %dma_wait3A_34 = tpu.memref_slice %arg3[%add3A, %dma_wait3A_31, %dma_wait3A_32, %dma_wait3A_33] : memref<32x126x2x80xi32, #tpu.memory_space<hbm>> -> memref<1x1x2x80xi32, #tpu.memory_space<hbm>>
    %dma_wait3A_35 = tpu.memref_squeeze %dma_wait3A_34 : memref<1x1x2x80xi32, #tpu.memory_space<hbm>> -> memref<2x80xi32, #tpu.memory_space<hbm>>
    %dma_wait3A_36 = arith.constant 0 : i32
    %dma_wait3A_37 = arith.constant 0 : i32
    %dma_wait3A_38 = tpu.memref_slice %arg3[%add3A, %dma_wait3A_31, %dma_wait3A_36, %dma_wait3A_37] : memref<32x126x2x80xi32, #tpu.memory_space<hbm>> -> memref<1x1x2x80xi32, #tpu.memory_space<hbm>>
    %dma_wait3A_39 = tpu.memref_squeeze %dma_wait3A_38 : memref<1x1x2x80xi32, #tpu.memory_space<hbm>> -> memref<2x80xi32, #tpu.memory_space<hbm>>
    tpu.wait_dma2 semaphore(%arg16 : memref<!tpu.dma_semaphore, #tpu.memory_space<semaphore_mem>>) src(%dma_wait3A_39 : memref<2x80xi32, #tpu.memory_space<hbm>>) dst(%arg10 : memref<2x80xi32, #tpu.memory_space<vmem>>)
    %barrier3A_40 = arith.constant 0 : index
    tpu.barrier barrier_id(%barrier3A_40)
    "tpu.region"() ({
      %run_scoped3A_41 = tpu.sem_alloc : memref<!tpu.dma_semaphore, #tpu.memory_space<semaphore_mem>>
      %dma_start3A_42 = arith.constant 0 : i32
      %dma_start3A_43 = tpu.memref_slice %arg7[%arg0, %mul3A_2, %dma_start3A_42] : memref<2x10112x128xf32, #tpu.memory_space<hbm>> -> memref<1x632x128xf32, #tpu.memory_space<hbm>>
      %dma_start3A_44 = tpu.memref_squeeze %dma_start3A_43 : memref<1x632x128xf32, #tpu.memory_space<hbm>> -> memref<632x128xf32, #tpu.memory_space<hbm>>
      %dma_start3A_45 = arith.constant 0 : i32
      %dma_start3A_46 = tpu.memref_slice %arg19[%mul3A_2, %dma_start3A_45] : memref<10112x128xf32, #tpu.memory_space<vmem_shared>> -> memref<632x128xf32, #tpu.memory_space<vmem_shared>>
      tpu.enqueue_dma source(%dma_start3A_46 : memref<632x128xf32, #tpu.memory_space<vmem_shared>>) target(%dma_start3A_44 : memref<632x128xf32, #tpu.memory_space<hbm>>) target_semaphore(%run_scoped3A_41 : memref<!tpu.dma_semaphore, #tpu.memory_space<semaphore_mem>>)
      %dma_wait3A_47 = arith.constant 0 : i32
      %dma_wait3A_48 = tpu.memref_slice %arg7[%arg0, %mul3A_2, %dma_wait3A_47] : memref<2x10112x128xf32, #tpu.memory_space<hbm>> -> memref<1x632x128xf32, #tpu.memory_space<hbm>>
      %dma_wait3A_49 = tpu.memref_squeeze %dma_wait3A_48 : memref<1x632x128xf32, #tpu.memory_space<hbm>> -> memref<632x128xf32, #tpu.memory_space<hbm>>
      %dma_wait3A_50 = arith.constant 0 : i32
      %dma_wait3A_51 = tpu.memref_slice %arg19[%mul3A_2, %dma_wait3A_50] : memref<10112x128xf32, #tpu.memory_space<vmem_shared>> -> memref<632x128xf32, #tpu.memory_space<vmem_shared>>
      tpu.wait_dma2 semaphore(%run_scoped3A_41 : memref<!tpu.dma_semaphore, #tpu.memory_space<semaphore_mem>>) src(%dma_wait3A_51 : memref<632x128xf32, #tpu.memory_space<vmem_shared>>) dst(%dma_wait3A_49 : memref<632x128xf32, #tpu.memory_space<hbm>>)
      tpu.yield
    }) : () -> ()
    "tpu.region"() ({
      %run_scoped3A_41 = tpu.sem_alloc : memref<!tpu.dma_semaphore, #tpu.memory_space<semaphore_mem>>
      %dma_start3A_42 = arith.constant 0 : i32
      %dma_start3A_43 = tpu.memref_slice %arg8[%arg0, %mul3A_2, %dma_start3A_42] : memref<2x10112x16xf32, #tpu.memory_space<hbm>> -> memref<1x632x16xf32, #tpu.memory_space<hbm>>
      %dma_start3A_44 = tpu.memref_squeeze %dma_start3A_43 : memref<1x632x16xf32, #tpu.memory_space<hbm>> -> memref<632x16xf32, #tpu.memory_space<hbm>>
      %dma_start3A_45 = arith.constant 0 : i32
      %dma_start3A_46 = tpu.memref_slice %arg18[%mul3A_2, %dma_start3A_45] : memref<10112x16xf32, #tpu.memory_space<vmem_shared>> -> memref<632x16xf32, #tpu.memory_space<vmem_shared>>
      tpu.enqueue_dma source(%dma_start3A_46 : memref<632x16xf32, #tpu.memory_space<vmem_shared>>) target(%dma_start3A_44 : memref<632x16xf32, #tpu.memory_space<hbm>>) target_semaphore(%run_scoped3A_41 : memref<!tpu.dma_semaphore, #tpu.memory_space<semaphore_mem>>)
      %dma_wait3A_47 = arith.constant 0 : i32
      %dma_wait3A_48 = tpu.memref_slice %arg8[%arg0, %mul3A_2, %dma_wait3A_47] : memref<2x10112x16xf32, #tpu.memory_space<hbm>> -> memref<1x632x16xf32, #tpu.memory_space<hbm>>
      %dma_wait3A_49 = tpu.memref_squeeze %dma_wait3A_48 : memref<1x632x16xf32, #tpu.memory_space<hbm>> -> memref<632x16xf32, #tpu.memory_space<hbm>>
      %dma_wait3A_50 = arith.constant 0 : i32
      %dma_wait3A_51 = tpu.memref_slice %arg18[%mul3A_2, %dma_wait3A_50] : memref<10112x16xf32, #tpu.memory_space<vmem_shared>> -> memref<632x16xf32, #tpu.memory_space<vmem_shared>>
      tpu.wait_dma2 semaphore(%run_scoped3A_41 : memref<!tpu.dma_semaphore, #tpu.memory_space<semaphore_mem>>) src(%dma_wait3A_51 : memref<632x16xf32, #tpu.memory_space<vmem_shared>>) dst(%dma_wait3A_49 : memref<632x16xf32, #tpu.memory_space<hbm>>)
      tpu.yield
    }) : () -> ()
    return
  }
}

#map = affine_map<(d0, d1) -> (0, 0)>
#map1 = affine_map<(d0, d1) -> (0, 0, 0, 0)>
#map2 = affine_map<(d0, d1) -> (0, 0, 0)>
module attributes {stable_mosaic.version = 14 : i64} {
  func.func @body_nc(%arg0: i32, %arg1: i32, %arg2: memref<10000x96xf32, #tpu.memory_space<hbm>>, %arg3: memref<32x126x2x80xi32, #tpu.memory_space<hbm>>, %arg4: memref<10112x96xf32, #tpu.memory_space<hbm>>, %arg5: memref<10112x16xf32, #tpu.memory_space<hbm>>, %arg6: memref<80x16xf32, #tpu.memory_space<hbm>>, %arg7: memref<2x10112x96xf32, #tpu.memory_space<hbm>>, %arg8: memref<2x80xi32, #tpu.memory_space<vmem>>, %arg9: memref<2x80xi32, #tpu.memory_space<vmem>>, %arg10: memref<80x96xf32, #tpu.memory_space<vmem>>, %arg11: memref<80x96xf32, #tpu.memory_space<vmem>>, %arg12: memref<!tpu.dma_semaphore, #tpu.memory_space<semaphore_mem>>, %arg13: memref<!tpu.dma_semaphore, #tpu.memory_space<semaphore_mem>>, %arg14: memref<!tpu.dma_semaphore, #tpu.memory_space<semaphore_mem>>, %arg15: memref<!tpu.dma_semaphore, #tpu.memory_space<semaphore_mem>>, %arg16: memref<10112x96xf32, #tpu.memory_space<vmem_shared>>) attributes {dimension_semantics = [#tpu.dimension_semantics<core_parallel>, #tpu.dimension_semantics<subcore_parallel>], iteration_bounds = array<i64: 2, 16>, scalar_prefetch = 0 : i64, scratch_operands = 9 : i64, tpu.core_type = #tpu.core_type<sc_vector_subcore>, window_params = [{transform_indices = #map}, {transform_indices = #map1}, {transform_indices = #map}, {transform_indices = #map}, {transform_indices = #map}, {transform_indices = #map2}]} {
    %mul3A = arith.constant 16 : i32
    %mul3A_0 = arith.muli %arg0, %mul3A : i32
    %add3A = arith.addi %mul3A_0, %arg1 : i32
    %mul3A_1 = arith.constant 632 : i32
    %mul3A_2 = arith.muli %arg1, %mul3A_1 : i32
    %run_scoped3A = arith.constant 0 : i32
    "tpu.region"() ({
      %run_scoped3A_40 = tpu.sem_alloc : memref<!tpu.dma_semaphore, #tpu.memory_space<semaphore_mem>>
      %dma_start3A_41 = arith.constant 0 : i32
      %dma_start3A_42 = arith.constant 0 : i32
      %dma_start3A_43 = tpu.memref_slice %arg3[%add3A, %run_scoped3A, %dma_start3A_41, %dma_start3A_42] : memref<32x126x2x80xi32, #tpu.memory_space<hbm>> -> memref<1x1x2x80xi32, #tpu.memory_space<hbm>>
      %dma_start3A_44 = tpu.memref_squeeze %dma_start3A_43 : memref<1x1x2x80xi32, #tpu.memory_space<hbm>> -> memref<2x80xi32, #tpu.memory_space<hbm>>
      %dma_start3A_45 = arith.constant 0 : i32
      %dma_start3A_46 = arith.constant 0 : i32
      %dma_start3A_47 = tpu.memref_slice %arg3[%add3A, %run_scoped3A, %dma_start3A_45, %dma_start3A_46] : memref<32x126x2x80xi32, #tpu.memory_space<hbm>> -> memref<1x1x2x80xi32, #tpu.memory_space<hbm>>
      %dma_start3A_48 = tpu.memref_squeeze %dma_start3A_47 : memref<1x1x2x80xi32, #tpu.memory_space<hbm>> -> memref<2x80xi32, #tpu.memory_space<hbm>>
      tpu.enqueue_dma source(%dma_start3A_48 : memref<2x80xi32, #tpu.memory_space<hbm>>) target(%arg8 : memref<2x80xi32, #tpu.memory_space<vmem>>) target_semaphore(%run_scoped3A_40 : memref<!tpu.dma_semaphore, #tpu.memory_space<semaphore_mem>>)
      %dma_wait3A_49 = arith.constant 0 : i32
      %dma_wait3A_50 = arith.constant 0 : i32
      %dma_wait3A_51 = tpu.memref_slice %arg3[%add3A, %run_scoped3A, %dma_wait3A_49, %dma_wait3A_50] : memref<32x126x2x80xi32, #tpu.memory_space<hbm>> -> memref<1x1x2x80xi32, #tpu.memory_space<hbm>>
      %dma_wait3A_52 = tpu.memref_squeeze %dma_wait3A_51 : memref<1x1x2x80xi32, #tpu.memory_space<hbm>> -> memref<2x80xi32, #tpu.memory_space<hbm>>
      %dma_wait3A_53 = arith.constant 0 : i32
      %dma_wait3A_54 = arith.constant 0 : i32
      %dma_wait3A_55 = tpu.memref_slice %arg3[%add3A, %run_scoped3A, %dma_wait3A_53, %dma_wait3A_54] : memref<32x126x2x80xi32, #tpu.memory_space<hbm>> -> memref<1x1x2x80xi32, #tpu.memory_space<hbm>>
      %dma_wait3A_56 = tpu.memref_squeeze %dma_wait3A_55 : memref<1x1x2x80xi32, #tpu.memory_space<hbm>> -> memref<2x80xi32, #tpu.memory_space<hbm>>
      tpu.wait_dma2 semaphore(%run_scoped3A_40 : memref<!tpu.dma_semaphore, #tpu.memory_space<semaphore_mem>>) src(%dma_wait3A_56 : memref<2x80xi32, #tpu.memory_space<hbm>>) dst(%arg8 : memref<2x80xi32, #tpu.memory_space<vmem>>)
      tpu.yield
    }) : () -> ()
    "tpu.region"() ({
      %run_scoped3A_40 = tpu.sem_alloc : memref<!tpu.dma_semaphore, #tpu.memory_space<semaphore_mem>>
      %dma_start3A_41 = arith.constant 0 : i32
      %dma_start3A_42 = tpu.memref_slice %arg16[%mul3A_2, %dma_start3A_41] : memref<10112x96xf32, #tpu.memory_space<vmem_shared>> -> memref<632x96xf32, #tpu.memory_space<vmem_shared>>
      %dma_start3A_43 = arith.constant 0 : i32
      %dma_start3A_44 = tpu.memref_slice %arg4[%mul3A_2, %dma_start3A_43] : memref<10112x96xf32, #tpu.memory_space<hbm>> -> memref<632x96xf32, #tpu.memory_space<hbm>>
      tpu.enqueue_dma source(%dma_start3A_44 : memref<632x96xf32, #tpu.memory_space<hbm>>) target(%dma_start3A_42 : memref<632x96xf32, #tpu.memory_space<vmem_shared>>) target_semaphore(%run_scoped3A_40 : memref<!tpu.dma_semaphore, #tpu.memory_space<semaphore_mem>>)
      %dma_wait3A_45 = arith.constant 0 : i32
      %dma_wait3A_46 = tpu.memref_slice %arg16[%mul3A_2, %dma_wait3A_45] : memref<10112x96xf32, #tpu.memory_space<vmem_shared>> -> memref<632x96xf32, #tpu.memory_space<vmem_shared>>
      %dma_wait3A_47 = arith.constant 0 : i32
      %dma_wait3A_48 = tpu.memref_slice %arg4[%mul3A_2, %dma_wait3A_47] : memref<10112x96xf32, #tpu.memory_space<hbm>> -> memref<632x96xf32, #tpu.memory_space<hbm>>
      tpu.wait_dma2 semaphore(%run_scoped3A_40 : memref<!tpu.dma_semaphore, #tpu.memory_space<semaphore_mem>>) src(%dma_wait3A_48 : memref<632x96xf32, #tpu.memory_space<hbm>>) dst(%dma_wait3A_46 : memref<632x96xf32, #tpu.memory_space<vmem_shared>>)
      tpu.yield
    }) : () -> ()
    %barrier3A = arith.constant 0 : index
    tpu.barrier barrier_id(%barrier3A)
    %dma_start3A = arith.constant 0 : i32
    %dma_start3A_3 = arith.constant 0 : i32
    %dma_start3A_4 = tpu.memref_slice %arg8[%dma_start3A, %dma_start3A_3] : memref<2x80xi32, #tpu.memory_space<vmem>> -> memref<1x80xi32, #tpu.memory_space<vmem>>
    %dma_start3A_5 = tpu.memref_squeeze %dma_start3A_4 : memref<1x80xi32, #tpu.memory_space<vmem>> -> memref<80xi32, #tpu.memory_space<vmem>>
    %dma_start3A_6 = arith.constant 0 : i32
    %dma_start3A_7 = arith.constant 0 : i32
    %dma_start3A_8 = tpu.memref_slice %arg2[%dma_start3A_6, %dma_start3A_7] : memref<10000x96xf32, #tpu.memory_space<hbm>> -> memref<10000x96xf32, #tpu.memory_space<hbm>>
    tpu.enqueue_indirect_dma source(%dma_start3A_8 : memref<10000x96xf32, #tpu.memory_space<hbm>>) target(%arg10 : memref<80x96xf32, #tpu.memory_space<vmem>>) offsets(%dma_start3A_5 : memref<80xi32, #tpu.memory_space<vmem>>) semaphore(%arg12 : memref<!tpu.dma_semaphore, #tpu.memory_space<semaphore_mem>>)
    %dma_start3A_9 = arith.constant 1 : i32
    %dma_start3A_10 = arith.constant 0 : i32
    %dma_start3A_11 = arith.constant 0 : i32
    %dma_start3A_12 = tpu.memref_slice %arg3[%add3A, %dma_start3A_9, %dma_start3A_10, %dma_start3A_11] : memref<32x126x2x80xi32, #tpu.memory_space<hbm>> -> memref<1x1x2x80xi32, #tpu.memory_space<hbm>>
    %dma_start3A_13 = tpu.memref_squeeze %dma_start3A_12 : memref<1x1x2x80xi32, #tpu.memory_space<hbm>> -> memref<2x80xi32, #tpu.memory_space<hbm>>
    %dma_start3A_14 = arith.constant 0 : i32
    %dma_start3A_15 = arith.constant 0 : i32
    %dma_start3A_16 = tpu.memref_slice %arg3[%add3A, %dma_start3A_9, %dma_start3A_14, %dma_start3A_15] : memref<32x126x2x80xi32, #tpu.memory_space<hbm>> -> memref<1x1x2x80xi32, #tpu.memory_space<hbm>>
    %dma_start3A_17 = tpu.memref_squeeze %dma_start3A_16 : memref<1x1x2x80xi32, #tpu.memory_space<hbm>> -> memref<2x80xi32, #tpu.memory_space<hbm>>
    tpu.enqueue_dma source(%dma_start3A_17 : memref<2x80xi32, #tpu.memory_space<hbm>>) target(%arg9 : memref<2x80xi32, #tpu.memory_space<vmem>>) target_semaphore(%arg15 : memref<!tpu.dma_semaphore, #tpu.memory_space<semaphore_mem>>)
    %scan3A = arith.constant 0 : i32
    %scan3A_18 = arith.constant 0 : i32
    %scan3A_19 = arith.constant 62 : i32
    %scan3A_20 = arith.addi %scan3A_18, %scan3A_19 : i32
    %scan3A_21 = arith.constant 1 : i32
    scf.for %scan3A_40 = %scan3A_18 to %scan3A_20 step %scan3A_21  : i32 {
      %mul3A_41 = arith.constant 2 : i32
      %mul3A_42 = arith.muli %mul3A_41, %scan3A_40 : i32
      %add3A_43 = arith.constant 1 : i32
      %add3A_44 = arith.addi %mul3A_42, %add3A_43 : i32
      %dma_wait3A_45 = arith.constant 0 : i32
      %dma_wait3A_46 = arith.constant 0 : i32
      %dma_wait3A_47 = tpu.memref_slice %arg8[%dma_wait3A_45, %dma_wait3A_46] : memref<2x80xi32, #tpu.memory_space<vmem>> -> memref<1x80xi32, #tpu.memory_space<vmem>>
      %dma_wait3A_48 = tpu.memref_squeeze %dma_wait3A_47 : memref<1x80xi32, #tpu.memory_space<vmem>> -> memref<80xi32, #tpu.memory_space<vmem>>
      %dma_wait3A_49 = arith.constant 0 : i32
      %dma_wait3A_50 = arith.constant 0 : i32
      %dma_wait3A_51 = tpu.memref_slice %arg2[%dma_wait3A_49, %dma_wait3A_50] : memref<10000x96xf32, #tpu.memory_space<hbm>> -> memref<10000x96xf32, #tpu.memory_space<hbm>>
      tpu.wait_indirect_dma semaphore(%arg12 : memref<!tpu.dma_semaphore, #tpu.memory_space<semaphore_mem>>) src(%dma_wait3A_51 : memref<10000x96xf32, #tpu.memory_space<hbm>>) dst(%arg10 : memref<80x96xf32, #tpu.memory_space<vmem>>)
      %dma_wait3A_52 = arith.constant 0 : i32
      %dma_wait3A_53 = arith.constant 0 : i32
      %dma_wait3A_54 = tpu.memref_slice %arg3[%add3A, %add3A_44, %dma_wait3A_52, %dma_wait3A_53] : memref<32x126x2x80xi32, #tpu.memory_space<hbm>> -> memref<1x1x2x80xi32, #tpu.memory_space<hbm>>
      %dma_wait3A_55 = tpu.memref_squeeze %dma_wait3A_54 : memref<1x1x2x80xi32, #tpu.memory_space<hbm>> -> memref<2x80xi32, #tpu.memory_space<hbm>>
      %dma_wait3A_56 = arith.constant 0 : i32
      %dma_wait3A_57 = arith.constant 0 : i32
      %dma_wait3A_58 = tpu.memref_slice %arg3[%add3A, %add3A_44, %dma_wait3A_56, %dma_wait3A_57] : memref<32x126x2x80xi32, #tpu.memory_space<hbm>> -> memref<1x1x2x80xi32, #tpu.memory_space<hbm>>
      %dma_wait3A_59 = tpu.memref_squeeze %dma_wait3A_58 : memref<1x1x2x80xi32, #tpu.memory_space<hbm>> -> memref<2x80xi32, #tpu.memory_space<hbm>>
      tpu.wait_dma2 semaphore(%arg15 : memref<!tpu.dma_semaphore, #tpu.memory_space<semaphore_mem>>) src(%dma_wait3A_59 : memref<2x80xi32, #tpu.memory_space<hbm>>) dst(%arg9 : memref<2x80xi32, #tpu.memory_space<vmem>>)
      %dma_start3A_60 = arith.constant 0 : i32
      %dma_start3A_61 = arith.constant 0 : i32
      %dma_start3A_62 = tpu.memref_slice %arg9[%dma_start3A_60, %dma_start3A_61] : memref<2x80xi32, #tpu.memory_space<vmem>> -> memref<1x80xi32, #tpu.memory_space<vmem>>
      %dma_start3A_63 = tpu.memref_squeeze %dma_start3A_62 : memref<1x80xi32, #tpu.memory_space<vmem>> -> memref<80xi32, #tpu.memory_space<vmem>>
      %dma_start3A_64 = arith.constant 0 : i32
      %dma_start3A_65 = arith.constant 0 : i32
      %dma_start3A_66 = tpu.memref_slice %arg2[%dma_start3A_64, %dma_start3A_65] : memref<10000x96xf32, #tpu.memory_space<hbm>> -> memref<10000x96xf32, #tpu.memory_space<hbm>>
      tpu.enqueue_indirect_dma source(%dma_start3A_66 : memref<10000x96xf32, #tpu.memory_space<hbm>>) target(%arg11 : memref<80x96xf32, #tpu.memory_space<vmem>>) offsets(%dma_start3A_63 : memref<80xi32, #tpu.memory_space<vmem>>) semaphore(%arg13 : memref<!tpu.dma_semaphore, #tpu.memory_space<semaphore_mem>>)
      %run_scoped3A_67 = arith.constant 1 : i32
      "tpu.region"() ({
        %run_scoped3A_113 = tpu.sem_alloc : memref<!tpu.dma_semaphore, #tpu.memory_space<semaphore_mem>>
        %dma_start3A_114 = arith.constant 0 : i32
        %dma_start3A_115 = tpu.memref_slice %arg8[%run_scoped3A_67, %dma_start3A_114] : memref<2x80xi32, #tpu.memory_space<vmem>> -> memref<1x80xi32, #tpu.memory_space<vmem>>
        %dma_start3A_116 = tpu.memref_squeeze %dma_start3A_115 : memref<1x80xi32, #tpu.memory_space<vmem>> -> memref<80xi32, #tpu.memory_space<vmem>>
        %dma_start3A_117 = arith.constant 0 : i32
        %dma_start3A_118 = arith.constant 0 : i32
        %dma_start3A_119 = tpu.memref_slice %arg16[%dma_start3A_117, %dma_start3A_118] : memref<10112x96xf32, #tpu.memory_space<vmem_shared>> -> memref<10112x96xf32, #tpu.memory_space<vmem_shared>>
        tpu.enqueue_indirect_dma source(%arg10 : memref<80x96xf32, #tpu.memory_space<vmem>>) target(%dma_start3A_119 : memref<10112x96xf32, #tpu.memory_space<vmem_shared>>) offsets(%dma_start3A_116 : memref<80xi32, #tpu.memory_space<vmem>>) semaphore(%run_scoped3A_113 : memref<!tpu.dma_semaphore, #tpu.memory_space<semaphore_mem>>) {add = true}
        %dma_wait3A_120 = arith.constant 0 : i32
        %dma_wait3A_121 = tpu.memref_slice %arg8[%run_scoped3A_67, %dma_wait3A_120] : memref<2x80xi32, #tpu.memory_space<vmem>> -> memref<1x80xi32, #tpu.memory_space<vmem>>
        %dma_wait3A_122 = tpu.memref_squeeze %dma_wait3A_121 : memref<1x80xi32, #tpu.memory_space<vmem>> -> memref<80xi32, #tpu.memory_space<vmem>>
        %dma_wait3A_123 = arith.constant 0 : i32
        %dma_wait3A_124 = arith.constant 0 : i32
        %dma_wait3A_125 = tpu.memref_slice %arg16[%dma_wait3A_123, %dma_wait3A_124] : memref<10112x96xf32, #tpu.memory_space<vmem_shared>> -> memref<10112x96xf32, #tpu.memory_space<vmem_shared>>
        tpu.wait_indirect_dma semaphore(%run_scoped3A_113 : memref<!tpu.dma_semaphore, #tpu.memory_space<semaphore_mem>>) src(%arg10 : memref<80x96xf32, #tpu.memory_space<vmem>>) dst(%dma_wait3A_125 : memref<10112x96xf32, #tpu.memory_space<vmem_shared>>)
        tpu.yield
      }) : () -> ()
      %add3A_68 = arith.constant 2 : i32
      %add3A_69 = arith.addi %mul3A_42, %add3A_68 : i32
      %dma_start3A_70 = arith.constant 0 : i32
      %dma_start3A_71 = arith.constant 0 : i32
      %dma_start3A_72 = tpu.memref_slice %arg3[%add3A, %add3A_69, %dma_start3A_70, %dma_start3A_71] : memref<32x126x2x80xi32, #tpu.memory_space<hbm>> -> memref<1x1x2x80xi32, #tpu.memory_space<hbm>>
      %dma_start3A_73 = tpu.memref_squeeze %dma_start3A_72 : memref<1x1x2x80xi32, #tpu.memory_space<hbm>> -> memref<2x80xi32, #tpu.memory_space<hbm>>
      %dma_start3A_74 = arith.constant 0 : i32
      %dma_start3A_75 = arith.constant 0 : i32
      %dma_start3A_76 = tpu.memref_slice %arg3[%add3A, %add3A_69, %dma_start3A_74, %dma_start3A_75] : memref<32x126x2x80xi32, #tpu.memory_space<hbm>> -> memref<1x1x2x80xi32, #tpu.memory_space<hbm>>
      %dma_start3A_77 = tpu.memref_squeeze %dma_start3A_76 : memref<1x1x2x80xi32, #tpu.memory_space<hbm>> -> memref<2x80xi32, #tpu.memory_space<hbm>>
      tpu.enqueue_dma source(%dma_start3A_77 : memref<2x80xi32, #tpu.memory_space<hbm>>) target(%arg8 : memref<2x80xi32, #tpu.memory_space<vmem>>) target_semaphore(%arg14 : memref<!tpu.dma_semaphore, #tpu.memory_space<semaphore_mem>>)
      %dma_wait3A_78 = arith.constant 0 : i32
      %dma_wait3A_79 = arith.constant 0 : i32
      %dma_wait3A_80 = tpu.memref_slice %arg9[%dma_wait3A_78, %dma_wait3A_79] : memref<2x80xi32, #tpu.memory_space<vmem>> -> memref<1x80xi32, #tpu.memory_space<vmem>>
      %dma_wait3A_81 = tpu.memref_squeeze %dma_wait3A_80 : memref<1x80xi32, #tpu.memory_space<vmem>> -> memref<80xi32, #tpu.memory_space<vmem>>
      %dma_wait3A_82 = arith.constant 0 : i32
      %dma_wait3A_83 = arith.constant 0 : i32
      %dma_wait3A_84 = tpu.memref_slice %arg2[%dma_wait3A_82, %dma_wait3A_83] : memref<10000x96xf32, #tpu.memory_space<hbm>> -> memref<10000x96xf32, #tpu.memory_space<hbm>>
      tpu.wait_indirect_dma semaphore(%arg13 : memref<!tpu.dma_semaphore, #tpu.memory_space<semaphore_mem>>) src(%dma_wait3A_84 : memref<10000x96xf32, #tpu.memory_space<hbm>>) dst(%arg11 : memref<80x96xf32, #tpu.memory_space<vmem>>)
      %add3A_85 = arith.constant 2 : i32
      %add3A_86 = arith.addi %mul3A_42, %add3A_85 : i32
      %dma_wait3A_87 = arith.constant 0 : i32
      %dma_wait3A_88 = arith.constant 0 : i32
      %dma_wait3A_89 = tpu.memref_slice %arg3[%add3A, %add3A_86, %dma_wait3A_87, %dma_wait3A_88] : memref<32x126x2x80xi32, #tpu.memory_space<hbm>> -> memref<1x1x2x80xi32, #tpu.memory_space<hbm>>
      %dma_wait3A_90 = tpu.memref_squeeze %dma_wait3A_89 : memref<1x1x2x80xi32, #tpu.memory_space<hbm>> -> memref<2x80xi32, #tpu.memory_space<hbm>>
      %dma_wait3A_91 = arith.constant 0 : i32
      %dma_wait3A_92 = arith.constant 0 : i32
      %dma_wait3A_93 = tpu.memref_slice %arg3[%add3A, %add3A_86, %dma_wait3A_91, %dma_wait3A_92] : memref<32x126x2x80xi32, #tpu.memory_space<hbm>> -> memref<1x1x2x80xi32, #tpu.memory_space<hbm>>
      %dma_wait3A_94 = tpu.memref_squeeze %dma_wait3A_93 : memref<1x1x2x80xi32, #tpu.memory_space<hbm>> -> memref<2x80xi32, #tpu.memory_space<hbm>>
      tpu.wait_dma2 semaphore(%arg14 : memref<!tpu.dma_semaphore, #tpu.memory_space<semaphore_mem>>) src(%dma_wait3A_94 : memref<2x80xi32, #tpu.memory_space<hbm>>) dst(%arg8 : memref<2x80xi32, #tpu.memory_space<vmem>>)
      %dma_start3A_95 = arith.constant 0 : i32
      %dma_start3A_96 = arith.constant 0 : i32
      %dma_start3A_97 = tpu.memref_slice %arg8[%dma_start3A_95, %dma_start3A_96] : memref<2x80xi32, #tpu.memory_space<vmem>> -> memref<1x80xi32, #tpu.memory_space<vmem>>
      %dma_start3A_98 = tpu.memref_squeeze %dma_start3A_97 : memref<1x80xi32, #tpu.memory_space<vmem>> -> memref<80xi32, #tpu.memory_space<vmem>>
      %dma_start3A_99 = arith.constant 0 : i32
      %dma_start3A_100 = arith.constant 0 : i32
      %dma_start3A_101 = tpu.memref_slice %arg2[%dma_start3A_99, %dma_start3A_100] : memref<10000x96xf32, #tpu.memory_space<hbm>> -> memref<10000x96xf32, #tpu.memory_space<hbm>>
      tpu.enqueue_indirect_dma source(%dma_start3A_101 : memref<10000x96xf32, #tpu.memory_space<hbm>>) target(%arg10 : memref<80x96xf32, #tpu.memory_space<vmem>>) offsets(%dma_start3A_98 : memref<80xi32, #tpu.memory_space<vmem>>) semaphore(%arg12 : memref<!tpu.dma_semaphore, #tpu.memory_space<semaphore_mem>>)
      %run_scoped3A_102 = arith.constant 1 : i32
      "tpu.region"() ({
        %run_scoped3A_113 = tpu.sem_alloc : memref<!tpu.dma_semaphore, #tpu.memory_space<semaphore_mem>>
        %dma_start3A_114 = arith.constant 0 : i32
        %dma_start3A_115 = tpu.memref_slice %arg9[%run_scoped3A_102, %dma_start3A_114] : memref<2x80xi32, #tpu.memory_space<vmem>> -> memref<1x80xi32, #tpu.memory_space<vmem>>
        %dma_start3A_116 = tpu.memref_squeeze %dma_start3A_115 : memref<1x80xi32, #tpu.memory_space<vmem>> -> memref<80xi32, #tpu.memory_space<vmem>>
        %dma_start3A_117 = arith.constant 0 : i32
        %dma_start3A_118 = arith.constant 0 : i32
        %dma_start3A_119 = tpu.memref_slice %arg16[%dma_start3A_117, %dma_start3A_118] : memref<10112x96xf32, #tpu.memory_space<vmem_shared>> -> memref<10112x96xf32, #tpu.memory_space<vmem_shared>>
        tpu.enqueue_indirect_dma source(%arg11 : memref<80x96xf32, #tpu.memory_space<vmem>>) target(%dma_start3A_119 : memref<10112x96xf32, #tpu.memory_space<vmem_shared>>) offsets(%dma_start3A_116 : memref<80xi32, #tpu.memory_space<vmem>>) semaphore(%run_scoped3A_113 : memref<!tpu.dma_semaphore, #tpu.memory_space<semaphore_mem>>) {add = true}
        %dma_wait3A_120 = arith.constant 0 : i32
        %dma_wait3A_121 = tpu.memref_slice %arg9[%run_scoped3A_102, %dma_wait3A_120] : memref<2x80xi32, #tpu.memory_space<vmem>> -> memref<1x80xi32, #tpu.memory_space<vmem>>
        %dma_wait3A_122 = tpu.memref_squeeze %dma_wait3A_121 : memref<1x80xi32, #tpu.memory_space<vmem>> -> memref<80xi32, #tpu.memory_space<vmem>>
        %dma_wait3A_123 = arith.constant 0 : i32
        %dma_wait3A_124 = arith.constant 0 : i32
        %dma_wait3A_125 = tpu.memref_slice %arg16[%dma_wait3A_123, %dma_wait3A_124] : memref<10112x96xf32, #tpu.memory_space<vmem_shared>> -> memref<10112x96xf32, #tpu.memory_space<vmem_shared>>
        tpu.wait_indirect_dma semaphore(%run_scoped3A_113 : memref<!tpu.dma_semaphore, #tpu.memory_space<semaphore_mem>>) src(%arg11 : memref<80x96xf32, #tpu.memory_space<vmem>>) dst(%dma_wait3A_125 : memref<10112x96xf32, #tpu.memory_space<vmem_shared>>)
        tpu.yield
      }) : () -> ()
      %add3A_103 = arith.constant 2 : i32
      %add3A_104 = arith.addi %add3A_44, %add3A_103 : i32
      %dma_start3A_105 = arith.constant 0 : i32
      %dma_start3A_106 = arith.constant 0 : i32
      %dma_start3A_107 = tpu.memref_slice %arg3[%add3A, %add3A_104, %dma_start3A_105, %dma_start3A_106] : memref<32x126x2x80xi32, #tpu.memory_space<hbm>> -> memref<1x1x2x80xi32, #tpu.memory_space<hbm>>
      %dma_start3A_108 = tpu.memref_squeeze %dma_start3A_107 : memref<1x1x2x80xi32, #tpu.memory_space<hbm>> -> memref<2x80xi32, #tpu.memory_space<hbm>>
      %dma_start3A_109 = arith.constant 0 : i32
      %dma_start3A_110 = arith.constant 0 : i32
      %dma_start3A_111 = tpu.memref_slice %arg3[%add3A, %add3A_104, %dma_start3A_109, %dma_start3A_110] : memref<32x126x2x80xi32, #tpu.memory_space<hbm>> -> memref<1x1x2x80xi32, #tpu.memory_space<hbm>>
      %dma_start3A_112 = tpu.memref_squeeze %dma_start3A_111 : memref<1x1x2x80xi32, #tpu.memory_space<hbm>> -> memref<2x80xi32, #tpu.memory_space<hbm>>
      tpu.enqueue_dma source(%dma_start3A_112 : memref<2x80xi32, #tpu.memory_space<hbm>>) target(%arg9 : memref<2x80xi32, #tpu.memory_space<vmem>>) target_semaphore(%arg15 : memref<!tpu.dma_semaphore, #tpu.memory_space<semaphore_mem>>)
    }
    %scan3A_22 = arith.constant 62 : i32
    %dma_wait3A = arith.constant 0 : i32
    %dma_wait3A_23 = arith.constant 0 : i32
    %dma_wait3A_24 = tpu.memref_slice %arg8[%dma_wait3A, %dma_wait3A_23] : memref<2x80xi32, #tpu.memory_space<vmem>> -> memref<1x80xi32, #tpu.memory_space<vmem>>
    %dma_wait3A_25 = tpu.memref_squeeze %dma_wait3A_24 : memref<1x80xi32, #tpu.memory_space<vmem>> -> memref<80xi32, #tpu.memory_space<vmem>>
    %dma_wait3A_26 = arith.constant 0 : i32
    %dma_wait3A_27 = arith.constant 0 : i32
    %dma_wait3A_28 = tpu.memref_slice %arg2[%dma_wait3A_26, %dma_wait3A_27] : memref<10000x96xf32, #tpu.memory_space<hbm>> -> memref<10000x96xf32, #tpu.memory_space<hbm>>
    tpu.wait_indirect_dma semaphore(%arg12 : memref<!tpu.dma_semaphore, #tpu.memory_space<semaphore_mem>>) src(%dma_wait3A_28 : memref<10000x96xf32, #tpu.memory_space<hbm>>) dst(%arg10 : memref<80x96xf32, #tpu.memory_space<vmem>>)
    %run_scoped3A_29 = arith.constant 1 : i32
    "tpu.region"() ({
      %run_scoped3A_40 = tpu.sem_alloc : memref<!tpu.dma_semaphore, #tpu.memory_space<semaphore_mem>>
      %dma_start3A_41 = arith.constant 0 : i32
      %dma_start3A_42 = tpu.memref_slice %arg8[%run_scoped3A_29, %dma_start3A_41] : memref<2x80xi32, #tpu.memory_space<vmem>> -> memref<1x80xi32, #tpu.memory_space<vmem>>
      %dma_start3A_43 = tpu.memref_squeeze %dma_start3A_42 : memref<1x80xi32, #tpu.memory_space<vmem>> -> memref<80xi32, #tpu.memory_space<vmem>>
      %dma_start3A_44 = arith.constant 0 : i32
      %dma_start3A_45 = arith.constant 0 : i32
      %dma_start3A_46 = tpu.memref_slice %arg16[%dma_start3A_44, %dma_start3A_45] : memref<10112x96xf32, #tpu.memory_space<vmem_shared>> -> memref<10112x96xf32, #tpu.memory_space<vmem_shared>>
      tpu.enqueue_indirect_dma source(%arg10 : memref<80x96xf32, #tpu.memory_space<vmem>>) target(%dma_start3A_46 : memref<10112x96xf32, #tpu.memory_space<vmem_shared>>) offsets(%dma_start3A_43 : memref<80xi32, #tpu.memory_space<vmem>>) semaphore(%run_scoped3A_40 : memref<!tpu.dma_semaphore, #tpu.memory_space<semaphore_mem>>) {add = true}
      %dma_wait3A_47 = arith.constant 0 : i32
      %dma_wait3A_48 = tpu.memref_slice %arg8[%run_scoped3A_29, %dma_wait3A_47] : memref<2x80xi32, #tpu.memory_space<vmem>> -> memref<1x80xi32, #tpu.memory_space<vmem>>
      %dma_wait3A_49 = tpu.memref_squeeze %dma_wait3A_48 : memref<1x80xi32, #tpu.memory_space<vmem>> -> memref<80xi32, #tpu.memory_space<vmem>>
      %dma_wait3A_50 = arith.constant 0 : i32
      %dma_wait3A_51 = arith.constant 0 : i32
      %dma_wait3A_52 = tpu.memref_slice %arg16[%dma_wait3A_50, %dma_wait3A_51] : memref<10112x96xf32, #tpu.memory_space<vmem_shared>> -> memref<10112x96xf32, #tpu.memory_space<vmem_shared>>
      tpu.wait_indirect_dma semaphore(%run_scoped3A_40 : memref<!tpu.dma_semaphore, #tpu.memory_space<semaphore_mem>>) src(%arg10 : memref<80x96xf32, #tpu.memory_space<vmem>>) dst(%dma_wait3A_52 : memref<10112x96xf32, #tpu.memory_space<vmem_shared>>)
      tpu.yield
    }) : () -> ()
    %dma_wait3A_30 = arith.constant 125 : i32
    %dma_wait3A_31 = arith.constant 0 : i32
    %dma_wait3A_32 = arith.constant 0 : i32
    %dma_wait3A_33 = tpu.memref_slice %arg3[%add3A, %dma_wait3A_30, %dma_wait3A_31, %dma_wait3A_32] : memref<32x126x2x80xi32, #tpu.memory_space<hbm>> -> memref<1x1x2x80xi32, #tpu.memory_space<hbm>>
    %dma_wait3A_34 = tpu.memref_squeeze %dma_wait3A_33 : memref<1x1x2x80xi32, #tpu.memory_space<hbm>> -> memref<2x80xi32, #tpu.memory_space<hbm>>
    %dma_wait3A_35 = arith.constant 0 : i32
    %dma_wait3A_36 = arith.constant 0 : i32
    %dma_wait3A_37 = tpu.memref_slice %arg3[%add3A, %dma_wait3A_30, %dma_wait3A_35, %dma_wait3A_36] : memref<32x126x2x80xi32, #tpu.memory_space<hbm>> -> memref<1x1x2x80xi32, #tpu.memory_space<hbm>>
    %dma_wait3A_38 = tpu.memref_squeeze %dma_wait3A_37 : memref<1x1x2x80xi32, #tpu.memory_space<hbm>> -> memref<2x80xi32, #tpu.memory_space<hbm>>
    tpu.wait_dma2 semaphore(%arg15 : memref<!tpu.dma_semaphore, #tpu.memory_space<semaphore_mem>>) src(%dma_wait3A_38 : memref<2x80xi32, #tpu.memory_space<hbm>>) dst(%arg9 : memref<2x80xi32, #tpu.memory_space<vmem>>)
    %barrier3A_39 = arith.constant 0 : index
    tpu.barrier barrier_id(%barrier3A_39)
    "tpu.region"() ({
      %run_scoped3A_40 = tpu.sem_alloc : memref<!tpu.dma_semaphore, #tpu.memory_space<semaphore_mem>>
      %dma_start3A_41 = arith.constant 0 : i32
      %dma_start3A_42 = tpu.memref_slice %arg7[%arg0, %mul3A_2, %dma_start3A_41] : memref<2x10112x96xf32, #tpu.memory_space<hbm>> -> memref<1x632x96xf32, #tpu.memory_space<hbm>>
      %dma_start3A_43 = tpu.memref_squeeze %dma_start3A_42 : memref<1x632x96xf32, #tpu.memory_space<hbm>> -> memref<632x96xf32, #tpu.memory_space<hbm>>
      %dma_start3A_44 = arith.constant 0 : i32
      %dma_start3A_45 = tpu.memref_slice %arg16[%mul3A_2, %dma_start3A_44] : memref<10112x96xf32, #tpu.memory_space<vmem_shared>> -> memref<632x96xf32, #tpu.memory_space<vmem_shared>>
      tpu.enqueue_dma source(%dma_start3A_45 : memref<632x96xf32, #tpu.memory_space<vmem_shared>>) target(%dma_start3A_43 : memref<632x96xf32, #tpu.memory_space<hbm>>) target_semaphore(%run_scoped3A_40 : memref<!tpu.dma_semaphore, #tpu.memory_space<semaphore_mem>>)
      %dma_wait3A_46 = arith.constant 0 : i32
      %dma_wait3A_47 = tpu.memref_slice %arg7[%arg0, %mul3A_2, %dma_wait3A_46] : memref<2x10112x96xf32, #tpu.memory_space<hbm>> -> memref<1x632x96xf32, #tpu.memory_space<hbm>>
      %dma_wait3A_48 = tpu.memref_squeeze %dma_wait3A_47 : memref<1x632x96xf32, #tpu.memory_space<hbm>> -> memref<632x96xf32, #tpu.memory_space<hbm>>
      %dma_wait3A_49 = arith.constant 0 : i32
      %dma_wait3A_50 = tpu.memref_slice %arg16[%mul3A_2, %dma_wait3A_49] : memref<10112x96xf32, #tpu.memory_space<vmem_shared>> -> memref<632x96xf32, #tpu.memory_space<vmem_shared>>
      tpu.wait_dma2 semaphore(%run_scoped3A_40 : memref<!tpu.dma_semaphore, #tpu.memory_space<semaphore_mem>>) src(%dma_wait3A_50 : memref<632x96xf32, #tpu.memory_space<vmem_shared>>) dst(%dma_wait3A_48 : memref<632x96xf32, #tpu.memory_space<hbm>>)
      tpu.yield
    }) : () -> ()
    return
  }
}

module attributes {stable_mosaic.version = 14 : i64} {
  func.func @_combine_kernel(%arg0: i32, %arg1: memref<2x1000x128xf32, #tpu.memory_space<vmem>>, %arg2: memref<2x1000x16xf32, #tpu.memory_space<vmem>>, %arg3: memref<1000x128xf32, #tpu.memory_space<vmem>>, %arg4: memref<128x96xf32, #tpu.memory_space<vmem>>, %arg5: memref<128x96xf32, #tpu.memory_space<vmem>>, %arg6: memref<1x96xf32, #tpu.memory_space<vmem>>, %arg7: memref<1000x96xf32, #tpu.memory_space<vmem>>) attributes {dimension_semantics = [#tpu.dimension_semantics<arbitrary>], iteration_bounds = array<i64: 10>, scalar_prefetch = 0 : i64, scratch_operands = 0 : i64, tpu.core_type = #tpu.core_type<tc>, window_params = [{transform_indices = @transform_0, window_bounds = array<i64: 2, 1000, 128>}, {transform_indices = @transform_1, window_bounds = array<i64: 2, 1000, 16>}, {transform_indices = @transform_2, window_bounds = array<i64: 1000, 128>}, {pipeline_mode = #tpu.pipeline_mode<synchronous>, transform_indices = @transform_3, window_bounds = array<i64: 128, 96>}, {pipeline_mode = #tpu.pipeline_mode<synchronous>, transform_indices = @transform_4, window_bounds = array<i64: 128, 96>}, {pipeline_mode = #tpu.pipeline_mode<synchronous>, transform_indices = @transform_5, window_bounds = array<i64: 1, 96>}, {transform_indices = @transform_6, window_bounds = array<i64: 1000, 96>}]} {
    %get3A = arith.constant 0 : index
    %get3A_0 = arith.constant 0 : index
    %get3A_1 = arith.constant 0 : index
    %get3A_2 = vector.load %arg1[%get3A, %get3A_0, %get3A_1] : memref<2x1000x128xf32, #tpu.memory_space<vmem>>, vector<1x1000x128xf32>
    %get3A_3 = vector.shape_cast %get3A_2 : vector<1x1000x128xf32> to vector<1000x128xf32>
    %get3A_4 = arith.constant 1 : index
    %get3A_5 = arith.constant 0 : index
    %get3A_6 = arith.constant 0 : index
    %get3A_7 = vector.load %arg1[%get3A_4, %get3A_5, %get3A_6] : memref<2x1000x128xf32, #tpu.memory_space<vmem>>, vector<1x1000x128xf32>
    %get3A_8 = vector.shape_cast %get3A_7 : vector<1x1000x128xf32> to vector<1000x128xf32>
    %add3A = arith.addf %get3A_3, %get3A_8 : vector<1000x128xf32>
    %get3A_9 = arith.constant 0 : index
    %get3A_10 = arith.constant 0 : index
    %get3A_11 = arith.constant 0 : index
    %get3A_12 = vector.load %arg2[%get3A_9, %get3A_10, %get3A_11] : memref<2x1000x16xf32, #tpu.memory_space<vmem>>, vector<1x1000x1xf32>
    %get3A_13 = vector.shape_cast %get3A_12 : vector<1x1000x1xf32> to vector<1000x1xf32>
    %get3A_14 = arith.constant 1 : index
    %get3A_15 = arith.constant 0 : index
    %get3A_16 = arith.constant 0 : index
    %get3A_17 = vector.load %arg2[%get3A_14, %get3A_15, %get3A_16] : memref<2x1000x16xf32, #tpu.memory_space<vmem>>, vector<1x1000x1xf32>
    %get3A_18 = vector.shape_cast %get3A_17 : vector<1x1000x1xf32> to vector<1000x1xf32>
    %add3A_19 = arith.addf %get3A_13, %get3A_18 : vector<1000x1xf32>
    %max3A = arith.constant 1.000000e+00 : f32
    %max3A_20 = vector.broadcast %max3A : f32 to vector<1000x1xf32>
    %max3A_21 = arith.maximumf %add3A_19, %max3A_20 : vector<1000x1xf32>
    %div3A = arith.constant 1.000000e+00 : f32
    %div3A_22 = vector.broadcast %div3A : f32 to vector<1000x1xf32>
    %div3A_23 = arith.divf %div3A_22, %max3A_21 : vector<1000x1xf32>
    %mul3A = vector.broadcast %div3A_23 : vector<1000x1xf32> to vector<1000x128xf32>
    %mul3A_24 = arith.mulf %add3A, %mul3A : vector<1000x128xf32>
    %get3A_25 = arith.constant 0 : index
    %get3A_26 = arith.constant 0 : index
    %get3A_27 = vector.load %arg4[%get3A_25, %get3A_26] : memref<128x96xf32, #tpu.memory_space<vmem>>, vector<128x96xf32>
    %dot_general3A = arith.constant dense<0.000000e+00> : vector<1000x96xf32>
    %dot_general3A_28 = tpu.matmul %mul3A_24, %get3A_27, %dot_general3A {dimension_numbers = #tpu.dot_dimension_numbers<[1], [0], [0], [1], [0, 0, 1, 1], [], []>, transpose_lhs_hint = false} : vector<1000x128xf32>, vector<128x96xf32>, vector<1000x96xf32> -> vector<1000x96xf32>
    %get3A_29 = arith.constant 0 : index
    %get3A_30 = arith.constant 0 : index
    %get3A_31 = vector.load %arg3[%get3A_29, %get3A_30] : memref<1000x128xf32, #tpu.memory_space<vmem>>, vector<1000x128xf32>
    %get3A_32 = arith.constant 0 : index
    %get3A_33 = arith.constant 0 : index
    %get3A_34 = vector.load %arg5[%get3A_32, %get3A_33] : memref<128x96xf32, #tpu.memory_space<vmem>>, vector<128x96xf32>
    %dot_general3A_35 = arith.constant dense<0.000000e+00> : vector<1000x96xf32>
    %dot_general3A_36 = tpu.matmul %get3A_31, %get3A_34, %dot_general3A_35 {dimension_numbers = #tpu.dot_dimension_numbers<[1], [0], [0], [1], [0, 0, 1, 1], [], []>, transpose_lhs_hint = false} : vector<1000x128xf32>, vector<128x96xf32>, vector<1000x96xf32> -> vector<1000x96xf32>
    %add3A_37 = arith.addf %dot_general3A_28, %dot_general3A_36 : vector<1000x96xf32>
    %get3A_38 = arith.constant 0 : index
    %get3A_39 = arith.constant 0 : index
    %get3A_40 = vector.load %arg6[%get3A_38, %get3A_39] : memref<1x96xf32, #tpu.memory_space<vmem>>, vector<1x96xf32>
    %add3A_41 = vector.broadcast %get3A_40 : vector<1x96xf32> to vector<1000x96xf32>
    %add3A_42 = arith.addf %add3A_37, %add3A_41 : vector<1000x96xf32>
    %max3A_43 = arith.constant 0.000000e+00 : f32
    %max3A_44 = vector.broadcast %max3A_43 : f32 to vector<1000x96xf32>
    %max3A_45 = arith.maximumf %add3A_42, %max3A_44 : vector<1000x96xf32>
    %swap3A = arith.constant 0 : index
    %swap3A_46 = arith.constant 0 : index
    %swap3A_47 = vector.load %arg7[%swap3A, %swap3A_46] : memref<1000x96xf32, #tpu.memory_space<vmem>>, vector<1000x96xf32>
    tpu.vector_store %arg7[%swap3A, %swap3A_46], %max3A_45 {strides = array<i32>} : memref<1000x96xf32, #tpu.memory_space<vmem>>, vector<1000x96xf32>,
    return
  }
  func.func @transform_0(%arg0: i32) -> (i32, i32, i32) {
    %c0_i32 = arith.constant 0 : i32
    %c0_i32_0 = arith.constant 0 : i32
    %c0_i32_1 = arith.constant 0 : i32
    return %c0_i32, %arg0, %c0_i32_0 : i32, i32, i32
  }
  func.func @transform_1(%arg0: i32) -> (i32, i32, i32) {
    %c0_i32 = arith.constant 0 : i32
    %c0_i32_0 = arith.constant 0 : i32
    %c0_i32_1 = arith.constant 0 : i32
    return %c0_i32, %arg0, %c0_i32_0 : i32, i32, i32
  }
  func.func @transform_2(%arg0: i32) -> (i32, i32) {
    %c0_i32 = arith.constant 0 : i32
    %c0_i32_0 = arith.constant 0 : i32
    return %arg0, %c0_i32 : i32, i32
  }
  func.func @transform_3(%arg0: i32) -> (i32, i32) {
    %c0_i32 = arith.constant 0 : i32
    %c0_i32_0 = arith.constant 0 : i32
    %c0_i32_1 = arith.constant 0 : i32
    return %c0_i32, %c0_i32_0 : i32, i32
  }
  func.func @transform_4(%arg0: i32) -> (i32, i32) {
    %c0_i32 = arith.constant 0 : i32
    %c0_i32_0 = arith.constant 0 : i32
    %c0_i32_1 = arith.constant 0 : i32
    return %c0_i32, %c0_i32_0 : i32, i32
  }
  func.func @transform_5(%arg0: i32) -> (i32, i32) {
    %c0_i32 = arith.constant 0 : i32
    %c0_i32_0 = arith.constant 0 : i32
    %c0_i32_1 = arith.constant 0 : i32
    return %c0_i32, %c0_i32_0 : i32, i32
  }
  func.func @transform_6(%arg0: i32) -> (i32, i32) {
    %c0_i32 = arith.constant 0 : i32
    %c0_i32_0 = arith.constant 0 : i32
    return %arg0, %c0_i32 : i32, i32
  }
}

module attributes {stable_mosaic.version = 14 : i64} {
  func.func @_combine_bn_kernel(%arg0: i32, %arg1: memref<2x10112x96xf32, #tpu.memory_space<vmem>>, %arg2: memref<2x10112x16xf32, #tpu.memory_space<vmem>>, %arg3: memref<10000x96xf32, #tpu.memory_space<vmem>>, %arg4: memref<96x96xf32, #tpu.memory_space<vmem>>, %arg5: memref<96x96xf32, #tpu.memory_space<vmem>>, %arg6: memref<1x96xf32, #tpu.memory_space<vmem>>, %arg7: memref<1x96xf32, #tpu.memory_space<vmem>>, %arg8: memref<1x96xf32, #tpu.memory_space<vmem>>, %arg9: memref<10000x128xbf16, #tpu.memory_space<vmem>>) attributes {dimension_semantics = [#tpu.dimension_semantics<arbitrary>], iteration_bounds = array<i64: 1>, scalar_prefetch = 0 : i64, scratch_operands = 0 : i64, tpu.core_type = #tpu.core_type<tc>, window_params = [{pipeline_mode = #tpu.pipeline_mode<synchronous>, transform_indices = @transform_0, window_bounds = array<i64: 2, 10112, 96>}, {pipeline_mode = #tpu.pipeline_mode<synchronous>, transform_indices = @transform_1, window_bounds = array<i64: 2, 10112, 16>}, {pipeline_mode = #tpu.pipeline_mode<synchronous>, transform_indices = @transform_2, window_bounds = array<i64: 10000, 96>}, {pipeline_mode = #tpu.pipeline_mode<synchronous>, transform_indices = @transform_3, window_bounds = array<i64: 96, 96>}, {pipeline_mode = #tpu.pipeline_mode<synchronous>, transform_indices = @transform_4, window_bounds = array<i64: 96, 96>}, {pipeline_mode = #tpu.pipeline_mode<synchronous>, transform_indices = @transform_5, window_bounds = array<i64: 1, 96>}, {pipeline_mode = #tpu.pipeline_mode<synchronous>, transform_indices = @transform_6, window_bounds = array<i64: 1, 96>}, {pipeline_mode = #tpu.pipeline_mode<synchronous>, transform_indices = @transform_7, window_bounds = array<i64: 1, 96>}, {pipeline_mode = #tpu.pipeline_mode<synchronous>, transform_indices = @transform_8, window_bounds = array<i64: 10000, 128>}]} {
    %get3A = arith.constant 0 : index
    %get3A_0 = arith.constant 0 : index
    %get3A_1 = arith.constant 0 : index
    %get3A_2 = vector.load %arg1[%get3A, %get3A_0, %get3A_1] : memref<2x10112x96xf32, #tpu.memory_space<vmem>>, vector<1x10000x96xf32>
    %get3A_3 = vector.shape_cast %get3A_2 : vector<1x10000x96xf32> to vector<10000x96xf32>
    %get3A_4 = arith.constant 1 : index
    %get3A_5 = arith.constant 0 : index
    %get3A_6 = arith.constant 0 : index
    %get3A_7 = vector.load %arg1[%get3A_4, %get3A_5, %get3A_6] : memref<2x10112x96xf32, #tpu.memory_space<vmem>>, vector<1x10000x96xf32>
    %get3A_8 = vector.shape_cast %get3A_7 : vector<1x10000x96xf32> to vector<10000x96xf32>
    %add3A = arith.addf %get3A_3, %get3A_8 : vector<10000x96xf32>
    %get3A_9 = arith.constant 0 : index
    %get3A_10 = arith.constant 0 : index
    %get3A_11 = arith.constant 0 : index
    %get3A_12 = vector.load %arg2[%get3A_9, %get3A_10, %get3A_11] : memref<2x10112x16xf32, #tpu.memory_space<vmem>>, vector<1x10000x1xf32>
    %get3A_13 = vector.shape_cast %get3A_12 : vector<1x10000x1xf32> to vector<10000x1xf32>
    %get3A_14 = arith.constant 1 : index
    %get3A_15 = arith.constant 0 : index
    %get3A_16 = arith.constant 0 : index
    %get3A_17 = vector.load %arg2[%get3A_14, %get3A_15, %get3A_16] : memref<2x10112x16xf32, #tpu.memory_space<vmem>>, vector<1x10000x1xf32>
    %get3A_18 = vector.shape_cast %get3A_17 : vector<1x10000x1xf32> to vector<10000x1xf32>
    %add3A_19 = arith.addf %get3A_13, %get3A_18 : vector<10000x1xf32>
    %max3A = arith.constant 1.000000e+00 : f32
    %max3A_20 = vector.broadcast %max3A : f32 to vector<10000x1xf32>
    %max3A_21 = arith.maximumf %add3A_19, %max3A_20 : vector<10000x1xf32>
    %div3A = arith.constant 1.000000e+00 : f32
    %div3A_22 = vector.broadcast %div3A : f32 to vector<10000x1xf32>
    %div3A_23 = arith.divf %div3A_22, %max3A_21 : vector<10000x1xf32>
    %mul3A = vector.broadcast %div3A_23 : vector<10000x1xf32> to vector<10000x96xf32>
    %mul3A_24 = arith.mulf %add3A, %mul3A : vector<10000x96xf32>
    %get3A_25 = arith.constant 0 : index
    %get3A_26 = arith.constant 0 : index
    %get3A_27 = vector.load %arg4[%get3A_25, %get3A_26] : memref<96x96xf32, #tpu.memory_space<vmem>>, vector<96x96xf32>
    %dot_general3A = arith.constant dense<0.000000e+00> : vector<10000x96xf32>
    %dot_general3A_28 = tpu.matmul %mul3A_24, %get3A_27, %dot_general3A {dimension_numbers = #tpu.dot_dimension_numbers<[1], [0], [0], [1], [0, 0, 1, 1], [], []>, transpose_lhs_hint = false} : vector<10000x96xf32>, vector<96x96xf32>, vector<10000x96xf32> -> vector<10000x96xf32>
    %get3A_29 = arith.constant 0 : index
    %get3A_30 = arith.constant 0 : index
    %get3A_31 = vector.load %arg3[%get3A_29, %get3A_30] : memref<10000x96xf32, #tpu.memory_space<vmem>>, vector<10000x96xf32>
    %get3A_32 = arith.constant 0 : index
    %get3A_33 = arith.constant 0 : index
    %get3A_34 = vector.load %arg5[%get3A_32, %get3A_33] : memref<96x96xf32, #tpu.memory_space<vmem>>, vector<96x96xf32>
    %dot_general3A_35 = arith.constant dense<0.000000e+00> : vector<10000x96xf32>
    %dot_general3A_36 = tpu.matmul %get3A_31, %get3A_34, %dot_general3A_35 {dimension_numbers = #tpu.dot_dimension_numbers<[1], [0], [0], [1], [0, 0, 1, 1], [], []>, transpose_lhs_hint = false} : vector<10000x96xf32>, vector<96x96xf32>, vector<10000x96xf32> -> vector<10000x96xf32>
    %add3A_37 = arith.addf %dot_general3A_28, %dot_general3A_36 : vector<10000x96xf32>
    %get3A_38 = arith.constant 0 : index
    %get3A_39 = arith.constant 0 : index
    %get3A_40 = vector.load %arg6[%get3A_38, %get3A_39] : memref<1x96xf32, #tpu.memory_space<vmem>>, vector<1x96xf32>
    %add3A_41 = vector.broadcast %get3A_40 : vector<1x96xf32> to vector<10000x96xf32>
    %add3A_42 = arith.addf %add3A_37, %add3A_41 : vector<10000x96xf32>
    %max3A_43 = arith.constant 0.000000e+00 : f32
    %max3A_44 = vector.broadcast %max3A_43 : f32 to vector<10000x96xf32>
    %max3A_45 = arith.maximumf %add3A_42, %max3A_44 : vector<10000x96xf32>
    %reduce_sum3A = arith.constant dense<0.000000e+00> : vector<96xf32>
    %reduce_sum3A_46 = vector.multi_reduction <add>, %max3A_45, %reduce_sum3A [0] : vector<10000x96xf32> to vector<96xf32>
    %broadcast_in_dim3A = vector.shape_cast %reduce_sum3A_46 : vector<96xf32> to vector<1x96xf32>
    %div3A_47 = arith.constant 1.000000e+04 : f32
    %div3A_48 = vector.broadcast %div3A_47 : f32 to vector<1x96xf32>
    %div3A_49 = arith.divf %broadcast_in_dim3A, %div3A_48 : vector<1x96xf32>
    %sub3A = vector.broadcast %div3A_49 : vector<1x96xf32> to vector<10000x96xf32>
    %sub3A_50 = arith.subf %max3A_45, %sub3A : vector<10000x96xf32>
    %mul3A_51 = arith.mulf %sub3A_50, %sub3A_50 : vector<10000x96xf32>
    %reduce_sum3A_52 = arith.constant dense<0.000000e+00> : vector<96xf32>
    %reduce_sum3A_53 = vector.multi_reduction <add>, %mul3A_51, %reduce_sum3A_52 [0] : vector<10000x96xf32> to vector<96xf32>
    %broadcast_in_dim3A_54 = vector.shape_cast %reduce_sum3A_53 : vector<96xf32> to vector<1x96xf32>
    %div3A_55 = arith.constant 1.000000e+04 : f32
    %div3A_56 = vector.broadcast %div3A_55 : f32 to vector<1x96xf32>
    %div3A_57 = arith.divf %broadcast_in_dim3A_54, %div3A_56 : vector<1x96xf32>
    %get3A_58 = arith.constant 0 : index
    %get3A_59 = arith.constant 0 : index
    %get3A_60 = vector.load %arg7[%get3A_58, %get3A_59] : memref<1x96xf32, #tpu.memory_space<vmem>>, vector<1x96xf32>
    %add3A_61 = arith.constant 9.99999974E-6 : f32
    %add3A_62 = vector.broadcast %add3A_61 : f32 to vector<1x96xf32>
    %add3A_63 = arith.addf %div3A_57, %add3A_62 : vector<1x96xf32>
    %rsqrt3A = math.rsqrt %add3A_63 : vector<1x96xf32>
    %mul3A_64 = arith.mulf %get3A_60, %rsqrt3A : vector<1x96xf32>
    %mul3A_65 = vector.broadcast %mul3A_64 : vector<1x96xf32> to vector<10000x96xf32>
    %mul3A_66 = arith.mulf %sub3A_50, %mul3A_65 : vector<10000x96xf32>
    %get3A_67 = arith.constant 0 : index
    %get3A_68 = arith.constant 0 : index
    %get3A_69 = vector.load %arg8[%get3A_67, %get3A_68] : memref<1x96xf32, #tpu.memory_space<vmem>>, vector<1x96xf32>
    %add3A_70 = vector.broadcast %get3A_69 : vector<1x96xf32> to vector<10000x96xf32>
    %add3A_71 = arith.addf %mul3A_66, %add3A_70 : vector<10000x96xf32>
    %broadcast_in_dim3A_72 = arith.constant 0.000000e+00 : f32
    %broadcast_in_dim3A_73 = vector.broadcast %broadcast_in_dim3A_72 : f32 to vector<10000x32xf32>
    %concatenate3A = tpu.concatenate %add3A_71, %broadcast_in_dim3A_73 in 1 : vector<10000x96xf32>, vector<10000x32xf32> -> vector<10000x128xf32>
    %convert_element_type3A = arith.truncf %concatenate3A : vector<10000x128xf32> to vector<10000x128xbf16>
    %swap3A = arith.constant 0 : index
    %swap3A_74 = arith.constant 0 : index
    %swap3A_75 = vector.load %arg9[%swap3A, %swap3A_74] : memref<10000x128xbf16, #tpu.memory_space<vmem>>, vector<10000x128xbf16>
    tpu.vector_store %arg9[%swap3A, %swap3A_74], %convert_element_type3A {strides = array<i32>} : memref<10000x128xbf16, #tpu.memory_space<vmem>>, vector<10000x128xbf16>,
    return
  }
  func.func @transform_0(%arg0: i32) -> (i32, i32, i32) {
    %c0_i32 = arith.constant 0 : i32
    %c0_i32_0 = arith.constant 0 : i32
    %c0_i32_1 = arith.constant 0 : i32
    %c0_i32_2 = arith.constant 0 : i32
    return %c0_i32, %c0_i32_0, %c0_i32_1 : i32, i32, i32
  }
  func.func @transform_1(%arg0: i32) -> (i32, i32, i32) {
    %c0_i32 = arith.constant 0 : i32
    %c0_i32_0 = arith.constant 0 : i32
    %c0_i32_1 = arith.constant 0 : i32
    %c0_i32_2 = arith.constant 0 : i32
    return %c0_i32, %c0_i32_0, %c0_i32_1 : i32, i32, i32
  }
  func.func @transform_2(%arg0: i32) -> (i32, i32) {
    %c0_i32 = arith.constant 0 : i32
    %c0_i32_0 = arith.constant 0 : i32
    %c0_i32_1 = arith.constant 0 : i32
    return %c0_i32, %c0_i32_0 : i32, i32
  }
  func.func @transform_3(%arg0: i32) -> (i32, i32) {
    %c0_i32 = arith.constant 0 : i32
    %c0_i32_0 = arith.constant 0 : i32
    %c0_i32_1 = arith.constant 0 : i32
    return %c0_i32, %c0_i32_0 : i32, i32
  }
  func.func @transform_4(%arg0: i32) -> (i32, i32) {
    %c0_i32 = arith.constant 0 : i32
    %c0_i32_0 = arith.constant 0 : i32
    %c0_i32_1 = arith.constant 0 : i32
    return %c0_i32, %c0_i32_0 : i32, i32
  }
  func.func @transform_5(%arg0: i32) -> (i32, i32) {
    %c0_i32 = arith.constant 0 : i32
    %c0_i32_0 = arith.constant 0 : i32
    %c0_i32_1 = arith.constant 0 : i32
    return %c0_i32, %c0_i32_0 : i32, i32
  }
  func.func @transform_6(%arg0: i32) -> (i32, i32) {
    %c0_i32 = arith.constant 0 : i32
    %c0_i32_0 = arith.constant 0 : i32
    %c0_i32_1 = arith.constant 0 : i32
    return %c0_i32, %c0_i32_0 : i32, i32
  }
  func.func @transform_7(%arg0: i32) -> (i32, i32) {
    %c0_i32 = arith.constant 0 : i32
    %c0_i32_0 = arith.constant 0 : i32
    %c0_i32_1 = arith.constant 0 : i32
    return %c0_i32, %c0_i32_0 : i32, i32
  }
  func.func @transform_8(%arg0: i32) -> (i32, i32) {
    %c0_i32 = arith.constant 0 : i32
    %c0_i32_0 = arith.constant 0 : i32
    %c0_i32_1 = arith.constant 0 : i32
    return %c0_i32, %c0_i32_0 : i32, i32
  }
}

module attributes {stable_mosaic.version = 14 : i64} {
  func.func @_edge_mlp_kernel(%arg0: i32, %arg1: memref<1280x128xbf16, #tpu.memory_space<vmem>>, %arg2: memref<1280x128xbf16, #tpu.memory_space<vmem>>, %arg3: memref<1280x16xf32, #tpu.memory_space<vmem>>, %arg4: memref<128x192xbf16, #tpu.memory_space<vmem>>, %arg5: memref<128x192xbf16, #tpu.memory_space<vmem>>, %arg6: memref<16x192xbf16, #tpu.memory_space<vmem>>, %arg7: memref<1x192xf32, #tpu.memory_space<vmem>>, %arg8: memref<192x96xbf16, #tpu.memory_space<vmem>>, %arg9: memref<1x96xf32, #tpu.memory_space<vmem>>, %arg10: memref<1x96xf32, #tpu.memory_space<vmem>>, %arg11: memref<1x1xf32, #tpu.memory_space<vmem>>, %arg12: memref<1x8x160xf32, #tpu.memory_space<vmem>>) attributes {dimension_semantics = [#tpu.dimension_semantics<arbitrary>], iteration_bounds = array<i64: 250>, scalar_prefetch = 0 : i64, scratch_operands = 0 : i64, tpu.core_type = #tpu.core_type<tc>, window_params = [{transform_indices = @transform_0, window_bounds = array<i64: 1280, 128>}, {transform_indices = @transform_1, window_bounds = array<i64: 1280, 128>}, {transform_indices = @transform_2, window_bounds = array<i64: 1280, 16>}, {pipeline_mode = #tpu.pipeline_mode<synchronous>, transform_indices = @transform_3, window_bounds = array<i64: 128, 192>}, {pipeline_mode = #tpu.pipeline_mode<synchronous>, transform_indices = @transform_4, window_bounds = array<i64: 128, 192>}, {pipeline_mode = #tpu.pipeline_mode<synchronous>, transform_indices = @transform_5, window_bounds = array<i64: 16, 192>}, {pipeline_mode = #tpu.pipeline_mode<synchronous>, transform_indices = @transform_6, window_bounds = array<i64: 1, 192>}, {pipeline_mode = #tpu.pipeline_mode<synchronous>, transform_indices = @transform_7, window_bounds = array<i64: 192, 96>}, {pipeline_mode = #tpu.pipeline_mode<synchronous>, transform_indices = @transform_8, window_bounds = array<i64: 1, 96>}, {pipeline_mode = #tpu.pipeline_mode<synchronous>, transform_indices = @transform_9, window_bounds = array<i64: 1, 96>}, {pipeline_mode = #tpu.pipeline_mode<synchronous>, transform_indices = @transform_10, window_bounds = array<i64: 1, 1>}, {transform_indices = @transform_11, window_bounds = array<i64: 1, 8, 160>}]} {
    %get3A = arith.constant 0 : index
    %get3A_0 = arith.constant 0 : index
    %get3A_1 = vector.load %arg1[%get3A, %get3A_0] : memref<1280x128xbf16, #tpu.memory_space<vmem>>, vector<1280x128xbf16>
    %get3A_2 = arith.constant 0 : index
    %get3A_3 = arith.constant 0 : index
    %get3A_4 = vector.load %arg4[%get3A_2, %get3A_3] : memref<128x192xbf16, #tpu.memory_space<vmem>>, vector<128x192xbf16>
    %dot_general3A = arith.constant dense<0.000000e+00> : vector<1280x192xf32>
    %dot_general3A_5 = tpu.matmul %get3A_1, %get3A_4, %dot_general3A {dimension_numbers = #tpu.dot_dimension_numbers<[1], [0], [0], [1], [0, 0, 1, 1], [], []>, transpose_lhs_hint = false} : vector<1280x128xbf16>, vector<128x192xbf16>, vector<1280x192xf32> -> vector<1280x192xf32>
    %get3A_6 = arith.constant 0 : index
    %get3A_7 = arith.constant 0 : index
    %get3A_8 = vector.load %arg2[%get3A_6, %get3A_7] : memref<1280x128xbf16, #tpu.memory_space<vmem>>, vector<1280x128xbf16>
    %get3A_9 = arith.constant 0 : index
    %get3A_10 = arith.constant 0 : index
    %get3A_11 = vector.load %arg5[%get3A_9, %get3A_10] : memref<128x192xbf16, #tpu.memory_space<vmem>>, vector<128x192xbf16>
    %dot_general3A_12 = arith.constant dense<0.000000e+00> : vector<1280x192xf32>
    %dot_general3A_13 = tpu.matmul %get3A_8, %get3A_11, %dot_general3A_12 {dimension_numbers = #tpu.dot_dimension_numbers<[1], [0], [0], [1], [0, 0, 1, 1], [], []>, transpose_lhs_hint = false} : vector<1280x128xbf16>, vector<128x192xbf16>, vector<1280x192xf32> -> vector<1280x192xf32>
    %add3A = arith.addf %dot_general3A_5, %dot_general3A_13 : vector<1280x192xf32>
    %get3A_14 = arith.constant 0 : index
    %get3A_15 = arith.constant 0 : index
    %get3A_16 = vector.load %arg3[%get3A_14, %get3A_15] : memref<1280x16xf32, #tpu.memory_space<vmem>>, vector<1280x16xf32>
    %convert_element_type3A = arith.truncf %get3A_16 : vector<1280x16xf32> to vector<1280x16xbf16>
    %get3A_17 = arith.constant 0 : index
    %get3A_18 = arith.constant 0 : index
    %get3A_19 = vector.load %arg6[%get3A_17, %get3A_18] : memref<16x192xbf16, #tpu.memory_space<vmem>>, vector<16x192xbf16>
    %dot_general3A_20 = arith.constant dense<0.000000e+00> : vector<1280x192xf32>
    %dot_general3A_21 = tpu.matmul %convert_element_type3A, %get3A_19, %dot_general3A_20 {dimension_numbers = #tpu.dot_dimension_numbers<[1], [0], [0], [1], [0, 0, 1, 1], [], []>, transpose_lhs_hint = false} : vector<1280x16xbf16>, vector<16x192xbf16>, vector<1280x192xf32> -> vector<1280x192xf32>
    %add3A_22 = arith.addf %add3A, %dot_general3A_21 : vector<1280x192xf32>
    %get3A_23 = arith.constant 0 : index
    %get3A_24 = arith.constant 0 : index
    %get3A_25 = vector.load %arg7[%get3A_23, %get3A_24] : memref<1x192xf32, #tpu.memory_space<vmem>>, vector<1x192xf32>
    %add3A_26 = vector.broadcast %get3A_25 : vector<1x192xf32> to vector<1280x192xf32>
    %add3A_27 = arith.addf %add3A_22, %add3A_26 : vector<1280x192xf32>
    %max3A = arith.constant 0.000000e+00 : f32
    %max3A_28 = vector.broadcast %max3A : f32 to vector<1280x192xf32>
    %max3A_29 = arith.maximumf %add3A_27, %max3A_28 : vector<1280x192xf32>
    %convert_element_type3A_30 = arith.truncf %max3A_29 : vector<1280x192xf32> to vector<1280x192xbf16>
    %get3A_31 = arith.constant 0 : index
    %get3A_32 = arith.constant 0 : index
    %get3A_33 = vector.load %arg8[%get3A_31, %get3A_32] : memref<192x96xbf16, #tpu.memory_space<vmem>>, vector<192x96xbf16>
    %dot_general3A_34 = arith.constant dense<0.000000e+00> : vector<1280x96xf32>
    %dot_general3A_35 = tpu.matmul %convert_element_type3A_30, %get3A_33, %dot_general3A_34 {dimension_numbers = #tpu.dot_dimension_numbers<[1], [0], [0], [1], [0, 0, 1, 1], [], []>, transpose_lhs_hint = false} : vector<1280x192xbf16>, vector<192x96xbf16>, vector<1280x96xf32> -> vector<1280x96xf32>
    %get3A_36 = arith.constant 0 : index
    %get3A_37 = arith.constant 0 : index
    %get3A_38 = vector.load %arg9[%get3A_36, %get3A_37] : memref<1x96xf32, #tpu.memory_space<vmem>>, vector<1x96xf32>
    %add3A_39 = vector.broadcast %get3A_38 : vector<1x96xf32> to vector<1280x96xf32>
    %add3A_40 = arith.addf %dot_general3A_35, %add3A_39 : vector<1280x96xf32>
    %max3A_41 = arith.constant 0.000000e+00 : f32
    %max3A_42 = vector.broadcast %max3A_41 : f32 to vector<1280x96xf32>
    %max3A_43 = arith.maximumf %add3A_40, %max3A_42 : vector<1280x96xf32>
    %get3A_44 = arith.constant 0 : index
    %get3A_45 = arith.constant 0 : index
    %get3A_46 = vector.load %arg10[%get3A_44, %get3A_45] : memref<1x96xf32, #tpu.memory_space<vmem>>, vector<1x96xf32>
    %mul3A = vector.broadcast %get3A_46 : vector<1x96xf32> to vector<1280x96xf32>
    %mul3A_47 = arith.mulf %max3A_43, %mul3A : vector<1280x96xf32>
    %reduce_sum3A = arith.constant dense<0.000000e+00> : vector<1280xf32>
    %reduce_sum3A_48 = vector.multi_reduction <add>, %mul3A_47, %reduce_sum3A [1] : vector<1280x96xf32> to vector<1280xf32>
    %get3A_49 = arith.constant 0 : index
    %get3A_50 = arith.constant 0 : index
    %get3A_51 = vector.load %arg11[%get3A_49, %get3A_50] : memref<1x1xf32, #tpu.memory_space<vmem>>, vector<1x1xf32>
    %get3A_52 = vector.extract %get3A_51[0, 0] : f32 from vector<1x1xf32>
    %add3A_53 = vector.broadcast %get3A_52 : f32 to vector<1280xf32>
    %add3A_54 = arith.addf %reduce_sum3A_48, %add3A_53 : vector<1280xf32>
    %reshape3A = vector.shape_cast %add3A_54 : vector<1280xf32> to vector<1x8x160xf32>
    %swap3A = arith.constant 0 : index
    %swap3A_55 = arith.constant 0 : index
    %swap3A_56 = arith.constant 0 : index
    %swap3A_57 = vector.load %arg12[%swap3A, %swap3A_55, %swap3A_56] : memref<1x8x160xf32, #tpu.memory_space<vmem>>, vector<1x8x160xf32>
    tpu.vector_store %arg12[%swap3A, %swap3A_55, %swap3A_56], %reshape3A {strides = array<i32>} : memref<1x8x160xf32, #tpu.memory_space<vmem>>, vector<1x8x160xf32>,
    return
  }
  func.func @transform_0(%arg0: i32) -> (i32, i32) {
    %c0_i32 = arith.constant 0 : i32
    %c0_i32_0 = arith.constant 0 : i32
    return %arg0, %c0_i32 : i32, i32
  }
  func.func @transform_1(%arg0: i32) -> (i32, i32) {
    %c0_i32 = arith.constant 0 : i32
    %c0_i32_0 = arith.constant 0 : i32
    return %arg0, %c0_i32 : i32, i32
  }
  func.func @transform_2(%arg0: i32) -> (i32, i32) {
    %c0_i32 = arith.constant 0 : i32
    %c0_i32_0 = arith.constant 0 : i32
    return %arg0, %c0_i32 : i32, i32
  }
  func.func @transform_3(%arg0: i32) -> (i32, i32) {
    %c0_i32 = arith.constant 0 : i32
    %c0_i32_0 = arith.constant 0 : i32
    %c0_i32_1 = arith.constant 0 : i32
    return %c0_i32, %c0_i32_0 : i32, i32
  }
  func.func @transform_4(%arg0: i32) -> (i32, i32) {
    %c0_i32 = arith.constant 0 : i32
    %c0_i32_0 = arith.constant 0 : i32
    %c0_i32_1 = arith.constant 0 : i32
    return %c0_i32, %c0_i32_0 : i32, i32
  }
  func.func @transform_5(%arg0: i32) -> (i32, i32) {
    %c0_i32 = arith.constant 0 : i32
    %c0_i32_0 = arith.constant 0 : i32
    %c0_i32_1 = arith.constant 0 : i32
    return %c0_i32, %c0_i32_0 : i32, i32
  }
  func.func @transform_6(%arg0: i32) -> (i32, i32) {
    %c0_i32 = arith.constant 0 : i32
    %c0_i32_0 = arith.constant 0 : i32
    %c0_i32_1 = arith.constant 0 : i32
    return %c0_i32, %c0_i32_0 : i32, i32
  }
  func.func @transform_7(%arg0: i32) -> (i32, i32) {
    %c0_i32 = arith.constant 0 : i32
    %c0_i32_0 = arith.constant 0 : i32
    %c0_i32_1 = arith.constant 0 : i32
    return %c0_i32, %c0_i32_0 : i32, i32
  }
  func.func @transform_8(%arg0: i32) -> (i32, i32) {
    %c0_i32 = arith.constant 0 : i32
    %c0_i32_0 = arith.constant 0 : i32
    %c0_i32_1 = arith.constant 0 : i32
    return %c0_i32, %c0_i32_0 : i32, i32
  }
  func.func @transform_9(%arg0: i32) -> (i32, i32) {
    %c0_i32 = arith.constant 0 : i32
    %c0_i32_0 = arith.constant 0 : i32
    %c0_i32_1 = arith.constant 0 : i32
    return %c0_i32, %c0_i32_0 : i32, i32
  }
  func.func @transform_10(%arg0: i32) -> (i32, i32) {
    %c0_i32 = arith.constant 0 : i32
    %c0_i32_0 = arith.constant 0 : i32
    %c0_i32_1 = arith.constant 0 : i32
    return %c0_i32, %c0_i32_0 : i32, i32
  }
  func.func @transform_11(%arg0: i32) -> (i32, i32, i32) {
    %c0_i32 = arith.constant 0 : i32
    %c0_i32_0 = arith.constant 0 : i32
    %c0_i32_1 = arith.constant 0 : i32
    return %arg0, %c0_i32, %c0_i32_0 : i32, i32, i32
  }
}

</mosaic_0001>

<sc_bundles>
// kernel: kernel.11.cloned.1.call-start
scs
__scs_entry_jumppad:
0x0: {  	(pc) =	sbr.rel $0x88, $3  }
0x1: {  	(tag) =	ssettag $0x0;
	lr =	simm.s32 $0x1  }
0x2: {  	[smem:$0x3F8F] =	sst lr;
	_ =	strace $0xD0000000  }
0x3: {  	_ = 	snop  }
0x4: {  	_ = 	snop  }
0x5: {  	_ = 	snop  }
0x6: {  	_ = 	snop  }
0x7: {  	_ = 	snop  }
__scs_overlays_trampoline_lowered:
0x8: {  	[smem:$0x3F9E] =	sst s0  }
0x9: {  	[smem:$0x3F9F] =	sst s1  }
0xa: {  	[smem:$0x3FA0] =	sst s2  }
0xb: {  	[smem:$0x3FA1] =	sst s3  }
0xc: {  	[smem:$0x3FA2] =	sst s4  }
0xd: {  	[smem:$0x3FA3] =	sst s5  }
0xe: {  	[smem:$0x3FA4] =	sst s6  }
0xf: {  	[smem:$0x3FA5] =	sst s7  }
0x10: {  	[smem:$0x3FA6] =	sst s8  }
0x11: {  	[smem:$0x3FA7] =	sst s9;
	s0 =	simm.s32 @!p0 $0x0  }
0x12: {  	s1 =	sld [smem:$0x3F8D];
	s0 =	simm.s32 @p0 $0x1  }
0x13: {  	[smem:$0x3FA8] =	sst s0;
	s0 =	simm.s32 @!p1 $0x0  }
0x14: {  	s2 =	sld [smem:$0x3F8C];
	s0 =	simm.s32 @p1 $0x1  }
0x15: {  	[smem:$0x3FA9] =	sst s0;
	s0 =	simm.s32 @!p2 $0x0  }
0x16: {  	s3 =	sld [smem:$0x3FDB];
	s0 =	simm.s32 @p2 $0x1  }
0x17: {  	s4 =	simm.s32 $0x1BF5;
	[smem:$0x3FAB] =	sst s0  }
0x18: {  	s0 =	sld [smem:$0x3F8E];
	_ =	swait.ge [sflag:s4], $0x0  }
0x19: {  	s7 =	sld [smem:$0x3F8F]  }
0x1a: {  	s8 =	sadd.s32 $0xFFFFE003, lr  }
0x1b: {  	s9 =	sadd.s32 $0xFFFFFEF7, lr;
	s5 =	simm.s32 $0xFFFFFFFF;
	p2 =	slt.u32 s8, $0xFFFFF086  }
0x1c: {  	p1 =	slt.u32 s9, $0xF7A;
	s5 =	simm.s32 @!p2 $0x0  }
0x1d: {  	s5 =	simm.s32 @p1 $0x1;
	p0 =	seq.s32 s7, s2  }
0x1e: {  	s7 =	smul.u32 @!p0 $0xF7A, s2;
	p2 =	seq.s32 @!p0 s5, $0x0  }
0x1f: {  	s9 =	smul.u32 $0xF7A, s1;
	s8 =	simm.s32 @!p0 $0x1BF5;
	p2 =	por !p2, p0  }
0x20: {  	[sflag:s8] =	ssyncset.s32 @!p0 $0xFFFFF086;
	s6 =	sadd.s32 @!p0 s3, s7;
	s7 =	simm.s32 @!p0 $0x108  }
0x21: {  	s3 =	sadd.s32 s3, s9;
	s6 =	sadd.s32 @!p0 $0x88, s6;
	s7 =	simm.s32 @p2 $0x1082  }
0x22: {  	[simem:s7], [sflag:s8] =	dma.local @!p0 [hbm:s6], $0xF7A  }
0x23: {  	s9 =	sor.u32 $0xD0000000, s2;
	s6 =	simm.s32 $0x108;
	_ =	swait.ge @!p0 [sflag:s8], $0x0  }
0x24: {  	s3 =	sadd.s32 $0x88, s3;
	s6 =	simm.s32 @!p1 $0x1082;
	[sflag:s4] =	ssyncset.s32 $0xFFFFF086  }
0x25: {  	[simem:s6], [sflag:s4] =	dma.local [hbm:s3], $0xF7A  }
0x26: {  	[smem:$0x3F8F] =	sst s1;
	(tag) =	ssettag s2;
	_ =	strace s9  }
0x27: {  	s1 =	sld [smem:$0x3F9F]  }
0x28: {  	s2 =	sld [smem:$0x3FA0]  }
0x29: {  	s4 =	sld [smem:$0x3FA2]  }
0x2a: {  	p0 =	seq.s32 s5, $0x0;
	s5 =	sld [smem:$0x3FA3]  }
0x2b: {  	s6 =	sld [smem:$0x3FA4]  }
0x2c: {  	s7 =	sld [smem:$0x3FA5]  }
0x2d: {  	s3 =	simm.s32 $0x108;
	s8 =	sld [smem:$0x3FA6]  }
0x2e: {  	s3 =	simm.s32 @!p0 $0x1082;
	s9 =	sld [smem:$0x3FA7]  }
0x2f: {  	lr =	sadd.s32 s0, s3;
	s0 =	sld [smem:$0x3F9E]  }
0x30: {  	s3 =	sld [smem:$0x3FA1]  }
0x31: {  	[smem:$0x3FAA] =	sst s10  }
0x32: {  	s10 =	sld [smem:$0x3FA8];
	_ =	sdelay $0x3  }
0x33: {  	p0 =	seq.s32 s10, $0x1;
	s10 =	sld [smem:$0x3FAA];
	_ =	sdelay $0x3  }
0x34: {  	[smem:$0x3FAA] =	sst s10  }
0x35: {  	s10 =	sld [smem:$0x3FA9];
	_ =	sdelay $0x3  }
0x36: {  	p1 =	seq.s32 s10, $0x1;
	s10 =	sld [smem:$0x3FAA];
	_ =	sdelay $0x3  }
0x37: {  	[smem:$0x3FAA] =	sst s10  }
0x38: {  	s10 =	sld [smem:$0x3FAB]  }
0x39: {  	_ = 	snop;
	(pc) =	sbr.ind lr, $3  }
0x3a: {  	_ = 	snop  }
0x3b: {  	_ = 	snop  }
0x3c: {  	p2 =	seq.s32 s10, $0x1;
	s10 =	sld [smem:$0x3FAA]  }
0x3d: {  	_ =	shalt  }
0x3e: {  	_ =	shalt  }
0x3f: {  	_ =	shalt  }
0x40: {  	_ =	shalt  }
0x41: {  	_ =	shalt  }
0x42: {  	_ =	shalt  }
0x43: {  	_ =	shalt  }
0x44: {  	_ =	shalt  }
0x45: {  	_ =	shalt  }
0x46: {  	_ =	shalt  }
0x47: {  	_ =	shalt  }
0x48: {  	_ =	shalt  }
0x49: {  	_ =	shalt  }
0x4a: {  	_ =	shalt  }
0x4b: {  	_ =	shalt  }
0x4c: {  	_ =	shalt  }
0x4d: {  	_ =	shalt  }
0x4e: {  	_ =	shalt  }
0x4f: {  	_ =	shalt  }
0x50: {  	_ =	shalt  }
0x51: {  	_ =	shalt  }
0x52: {  	_ =	shalt  }
0x53: {  	_ =	shalt  }
0x54: {  	_ =	shalt  }
0x55: {  	_ =	shalt  }
0x56: {  	_ =	shalt  }
0x57: {  	_ =	shalt  }
0x58: {  	_ =	shalt  }
0x59: {  	_ =	shalt  }
0x5a: {  	_ =	shalt  }
0x5b: {  	_ =	shalt  }
0x5c: {  	_ =	shalt  }
0x5d: {  	_ =	shalt  }
0x5e: {  	_ =	shalt  }
0x5f: {  	_ =	shalt  }
0x60: {  	_ =	shalt  }
0x61: {  	_ =	shalt  }
0x62: {  	_ =	shalt  }
0x63: {  	_ =	shalt  }
0x64: {  	_ =	shalt  }
0x65: {  	_ =	shalt  }
0x66: {  	_ =	shalt  }
0x67: {  	_ =	shalt  }
0x68: {  	_ =	shalt  }
0x69: {  	_ =	shalt  }
0x6a: {  	_ =	shalt  }
0x6b: {  	_ =	shalt  }
0x6c: {  	_ =	shalt  }
0x6d: {  	_ =	shalt  }
0x6e: {  	_ =	shalt  }
0x6f: {  	_ =	shalt  }
0x70: {  	_ =	shalt  }
0x71: {  	_ =	shalt  }
0x72: {  	_ =	shalt  }
0x73: {  	_ =	shalt  }
0x74: {  	_ =	shalt  }
0x75: {  	_ =	shalt  }
0x76: {  	_ =	shalt  }
0x77: {  	_ =	shalt  }
0x78: {  	_ =	shalt  }
0x79: {  	_ =	shalt  }
0x7a: {  	_ =	shalt  }
0x7b: {  	_ =	shalt  }
0x7c: {  	_ =	shalt  }
0x7d: {  	_ =	shalt  }
0x7e: {  	_ =	shalt  }
0x7f: {  	_ =	shalt  }
0x80: {  	_ =	shalt  }
0x81: {  	_ =	shalt  }
0x82: {  	_ =	shalt  }
0x83: {  	_ =	shalt  }
0x84: {  	_ =	shalt  }
0x85: {  	_ =	shalt  }
0x86: {  	_ =	shalt  }
0x87: {  	_ =	shalt  }
.Lfunc_end0:
.L_simem_size_0:
called_computation.1_lowered:
.L_overlay_start_0:
0x88: {  	s2 =	sld [smem:$0x3FD9]  }
0x89: {  	s3 =	sld [smem:$0x3FFE];
	_ =	sdelay $0x1  }
0x8a: {  	s1 =	srdreg.scid  }
0x8b: {  	s0 =	sand.u32 $0x1, s1  }
0x8c: {  	s16 =	sshll.u32 s0, $0xA;
	s2 =	sadd.s32 s3, s2  }
0x8d: {  	s2 =	sadd.s32 s2, s16  }
0x8e: {  	[smem:$0x3FB6] =	sst s2  }
0x8f: {  	_ = 	snop  }
0x90: {  	(tm) =	ssettm $0x1  }
0x91: {  	s17 =	sld [smem:$0x3FFB];
	_ =	sdelay $0x3  }
0x92: {  	_ =	strace s17  }
0x93: {  	s2 =	sld [smem:$0x3FFC];
	_ =	sdelay $0x3  }
0x94: {  	_ =	strace s2  }
0x95: {  	s2 =	sld [smem:$0x3FFD];
	_ =	sdelay $0x3  }
0x96: {  	_ =	strace s2  }
0x97: {  	_ =	strace $0x8FFFFFFF  }
0x98: {  	s18 =	sld [smem:$0x3FDB];
	_ =	sdelay $0x1  }
0x99: {  	s19 =	simm.s32 $_scs_section_size  }
0x9a: {  	s4 =	simm.s32 $_size__tile_overlayer_lowered;
	s5 =	simm.s32 $_tile_overlayer_lowered  }
0x9b: {  	s22 =	simm.s32 $0x1BFF;
	s21 =	sshll.u32 s5, $0x1;
	s2 =	sadd.s32 s19, s18  }
0x9c: {  	s6 =	simm.s32 $0x0;
	s20 =	sshll.u32 s4, $0x1;
	s4 =	sadd.s32 s21, s2  }
0x9d: {  	[timem:s6], [sflag:s22] =	dma.local [hbm:s4], s20  }
0x9e: {  	_ =	swait.ge [sflag:s22], s20  }
0x9f: {  	s3 =	ssub.s32 $0x0, s20;
	[sflag:s22] =	ssyncset.done $0x0  }
0xa0: {  	[sflag:s22] =	ssyncadd.s32 s3;
	_ =	sdelay $0x1  }
0xa1: {  	s23 =	simm.s32 $0x1B8B  }
0xa2: {  	_ =	swait.ge [sflag:s23], $0x1  }
0xa3: {  	[sflag:s23] =	ssyncset.done $0x0  }
0xa4: {  	s25 =	simm.s32 $0x1B8E;
	s24 =	sld [smem:$0x3FFE];
	[sflag:s23] =	ssyncadd.s32 $0xFFFFFFFF  }
0xa5: {  	s26 =	simm.s32 $execute0_lowered;
	[smem:$0x3FD2] =	sst s25  }
0xa6: {  	s4 =	sshll.u32 s26, $0x1;
	_ =	strace $0x80000049;
	[dreg:$0x1] =	wrdreg $0xFFFFFFFF  }
0xa7: {  	s28 =	simm.s32 $_size_execute0_lowered;
	s2 =	sadd.s32 s2, s4;
	[dreg:$0x0] =	wrdreg $0x0  }
0xa8: {  	s4 =	sshll.u32 s28, $0x1;
	[dreg:$0x2] =	wrdreg s2  }
0xa9: {  	[dreg:$0x3] =	wrdreg s4  }
0xaa: {  	[dreg:$0x4] =	wrdreg $0xC0  }
0xab: {  	_ =	task [dreg:s6], $0x5FFFF  }
0xac: {  	[dreg:$0x1] =	wrdreg $0xFFFFFFFF  }
0xad: {  	[dreg:$0x0] =	wrdreg $0x60  }
0xae: {  	[dreg:$0x2] =	wrdreg s24  }
0xaf: {  	[dreg:$0x3] =	wrdreg $0x3D400  }
0xb0: {  	[dreg:$0x4] =	wrdreg $0x9  }
0xb1: {  	_ =	task.clear_ibuf [dreg:s6], $0x5FFFF;
	_ =	strace $0x90000049  }
0xb2: {  	s29 =	simm.s32 $0x9;
	_ =	strace $0x8000004B  }
0xb3: {  	_ =	swait.ge [sflag:s29], $0x1  }
0xb4: {  	[sflag:s29] =	ssyncadd.s32 $0xFFFFFFFF  }
0xb5: {  	_ =	strace $0x9000004B  }
0xb6: {  	_ =	sfence  }
0xb7: {  	s30 =	sld [smem:$0x0];
	_ =	sdelay $0x2  }
0xb8: {  	s31 =	sshll.u32 s1, $0xD;
	s1 =	sshrl.u32 s1, $0x2  }
0xb9: {  	s3 =	sand.u32 $0x4000, s31;
	s1 =	sadd.s32 s1, s30  }
0xba: {  	s0 =	sor.u32 s3, s0;
	s1 =	sshll.u32 s1, $0x11  }
0xbb: {  	s0 =	sor.u32 s1, s0  }
0xbc: {  	s0 =	sadd.s32 $0x8F2B, s0  }
0xbd: {  	[sflag:s0] =	ssyncadd.remote.s32 $0x1  }
0xbe: {  	_ =	sfence.sel $0xFFFF  }
0xbf: {  	[dreg:$0x0] =	wrdreg $0xFFFFFFFF;
	(pc) =	sbr.abs _section_cstart, $3  }
0xc0: {  	[dreg:$0x1] =	wrdreg $0xFFFFFFFF  }
0xc1: {  	_ =	task.clear_ibuf [dreg:s6], $0x2FFFF;
	_ =	strace $0x9FFFFFFF  }
0xc2: {  	(tm) =	ssettm $0x7FFFFFFF  }
0xc3: {  	_ =	shalt  }
tec
execute0_lowered:
.L_overlay_start_1:
0x0: {  	(tag) =	ssettag $0x1  }
0x1: {  	s6 =	rddreg [dreg:$0x0]  }
0x2: {  	s2 =	rddreg [dreg:$0x1]  }
0x3: {  	s0 =	rddreg [dreg:$0x2];
	s4 =	srdreg.scid  }
0x4: {  	s3 =	simm.s32 $0x0;
	s1 =	stileid.u32;
	s16 =	simm.s32 $0x50  }
0x5: {  	s17 =	simm.s32 $0x140;
	s18 =	simm.s32 $0xA0;
	s19 =	simm.s32 $0x1  }
0x6: {  	s20 =	simm.s32 $0x4;
	s21 =	simm.s32 $0x1F40;
	s22 =	simm.s32 $0x2  }
0x7: {  	s23 =	simm.s32 $0x3;
	s24 =	simm.s32 $0xF0;
	s25 =	simm.s32 $0x0  }
0x8: {  	s7 =	sand.u32 $0x1, s4;
	[smem:$0x7FF] =	sst s3;
	s8 =	smul.u32 $0xED00, s1  }
0x9: {  	s5 =	sadd.s32 $0x4600, s6;
	s13 =	smul.u32 $0x4EC0, s1;
	s31 =	sshll.u32 s1, $0x6  }
0xa: {  	s4 =	sshll.u32 s7, $0x4;
	_ =	strace $0x8000004A;
	s9 =	smul.u32 $0xED000, s7  }
0xb: {  	s12 =	smul.u32 $0x4EC00, s7;
	s7 =	ssub.s32 $0x2, s7;
	s10 =	sor.u32 s1, s4  }
0xc: {  	s4 =	sadd.s32 $0x1D400, s6;
	s11 =	sshrl.u32 s8, $0x3;
	s26 =	sshrl.u32 s7, $0x1  }
0xd: {  	s15 =	sadd.s32 s8, s2;
	s10 =	smul.u32 $0x4EC0, s10;
	s9 =	sadd.s32 s8, s9  }
0xe: {  	s11 =	sadd.s32 s11, s6;
	s14 =	ssub.s32 s7, s26;
	s12 =	sadd.s32 s13, s12  }
0xf: {  	s13 =	simm.s32 $0x5;
	s15 =	sshrl.u32 s15, $0x3;
	s9 =	sshrl.u32 s9, $0x3  }
0x10: {  	s29 =	sadd.s32 $0x1E0, s12;
	s7 =	sadd.s32 $0x3AA00, s11;
	s12 =	sadd.s32 $0x140, s12  }
0x11: {  	s9 =	sadd.s32 s9, s6;
	s28 =	sshrl.u32 s10, $0x3;
	s30 =	sshrl.u32 s29, $0x3  }
0x12: {  	s10 =	smax.u32 s14, $0x1;
	s14 =	sor.u32 $0x1C05, s31;
	s6 =	sadd.s32 s5, s28  }
0x13: {  	s9 =	sadd.s32 $0x58400, s9;
	s11 =	sadd.s32 s30, s5;
	s8 =	sadd.s32 $0x14, s6  }
.LBB2_1:
0x14: {  	[tilespmem:s3], [sflag:$0x5] =	stream.linear.gather [hbm4b:s6+s3], $0xA0, $0x38;
	[tilespmem:$0x12A40] =	vst v63  }
0x15: {  	_ =	swait.ge [sflag:s13], $0xA0  }
0x16: {  	[sflag:s13] =	ssyncset.done $0x0  }
0x17: {  	[sflag:s13] =	ssyncadd.s32 $0xFFFFFF60  }
0x18: {  	[spmem:s15], [sflag:s14] =	dma.local [hbm:s7], $0x1DA0  }
0x19: {  	_ =	swait.ge [sflag:s13], $0x1DA0  }
0x1a: {  	[sflag:s13] =	ssyncset.done $0x0  }
0x1b: {  	[sflag:s13] =	ssyncadd.s32 $0xFFFFE260  }
0x1c: {  	[bflag:$0x0] =	sbarrier.arrive $0xFFFF  }
0x1d: {  	[tilespmem:s17], [sflag:$0x1] =	stream.indirect.gather [hbm4b:s4+s16], $0x60, s3, s16, $0xb8;
	[tilespmem:$0x12A40] =	vst v63  }
0x1e: {  	_ = 	snop  }
0x1f: {  	[tilespmem:s18], [sflag:$0x4] =	stream.linear.gather [hbm4b:s8+s3], $0xA0, $0x38;
	[tilespmem:$0x12A40] =	vst v63  }
0x20: {  	_ =	swait.ge [sflag:s19], $0x1E00  }
0x21: {  	[sflag:s19] =	ssyncset.done $0x0  }
0x22: {  	[sflag:s19] =	ssyncadd.s32 $0xFFFFE200  }
0x23: {  	_ =	swait.ge [sflag:s20], $0xA0  }
0x24: {  	[sflag:s20] =	ssyncset.done $0x0  }
0x25: {  	[sflag:s20] =	ssyncadd.s32 $0xFFFFFF60  }
0x26: {  	[tilespmem:s21], [sflag:$0x2] =	stream.indirect.gather [hbm4b:s4+s16], $0x60, s18, s16, $0xb8;
	[tilespmem:$0x12A40] =	vst v63  }
0x27: {  	_ = 	snop  }
0x28: {  	[spmem:s2] =	stream.indirect.scatter.add.f32 [tilespmem:s17], [sflag:$0x5], $0x60, s16, s16, $0xb8;
	[tilespmem:$0x12A40] =	vst v63  }
0x29: {  	_ =	swait.ge [sflag:s13], $0x1E00  }
0x2a: {  	s26 =	sshrl.u32 s12, $0x3;
	[sflag:s13] =	ssyncset.done $0x0  }
0x2b: {  	s26 =	sadd.s32 s5, s26;
	[sflag:s13] =	ssyncadd.s32 $0xFFFFE200  }
0x2c: {  	[tilespmem:s3], [sflag:$0x3] =	stream.linear.gather [hbm4b:s26+s3], $0xA0, $0x38;
	[tilespmem:$0x12A40] =	vst v63  }
0x2d: {  	_ =	swait.ge [sflag:s22], $0x1E00  }
0x2e: {  	[sflag:s22] =	ssyncset.done $0x0  }
0x2f: {  	[sflag:s22] =	ssyncadd.s32 $0xFFFFE200  }
0x30: {  	_ =	swait.ge [sflag:s23], $0xA0  }
0x31: {  	[sflag:s23] =	ssyncset.done $0x0  }
0x32: {  	[sflag:s23] =	ssyncadd.s32 $0xFFFFFF60  }
0x33: {  	[tilespmem:s17], [sflag:$0x1] =	stream.indirect.gather [hbm4b:s4+s16], $0x60, s3, s16, $0xb8;
	[tilespmem:$0x12A40] =	vst v63  }
0x34: {  	_ = 	snop  }
0x35: {  	[spmem:s2] =	stream.indirect.scatter.add.f32 [tilespmem:s21], [sflag:$0x5], $0x60, s24, s16, $0xb8;
	[tilespmem:$0x12A40] =	vst v63  }
0x36: {  	_ =	swait.ge [sflag:s13], $0x1E00  }
0x37: {  	s29 =	sadd.s32 $0x0, s11;
	[sflag:s13] =	ssyncset.done $0x0  }
0x38: {  	s28 =	sadd.s32 $0x140, s12;
	s26 =	simm.s32 $0x28;
	[sflag:s13] =	ssyncadd.s32 $0xFFFFE200  }
.LBB2_2:
0x39: {  	[tilespmem:s18], [sflag:$0x4] =	stream.linear.gather [hbm4b:s29+s3], $0xA0, $0x38;
	[tilespmem:$0x12A40] =	vst v63  }
0x3a: {  	s29 =	smov.u32 s26  }
0x3b: {  	p0 =	sne.s32 s26, $0x988;
	s26 =	sadd.s32 $0x28, s26;
	_ =	swait.ge [sflag:s19], $0x1E00  }
0x3c: {  	[sflag:s19] =	ssyncset.done $0x0  }
0x3d: {  	[sflag:s19] =	ssyncadd.s32 $0xFFFFE200  }
0x3e: {  	_ =	swait.ge [sflag:s20], $0xA0  }
0x3f: {  	[sflag:s20] =	ssyncset.done $0x0  }
0x40: {  	[sflag:s20] =	ssyncadd.s32 $0xFFFFFF60  }
0x41: {  	[tilespmem:s21], [sflag:$0x2] =	stream.indirect.gather [hbm4b:s4+s16], $0x60, s18, s16, $0xb8;
	[tilespmem:$0x12A40] =	vst v63  }
0x42: {  	_ = 	snop  }
0x43: {  	[spmem:s2] =	stream.indirect.scatter.add.f32 [tilespmem:s17], [sflag:$0x5], $0x60, s16, s16, $0xb8;
	[tilespmem:$0x12A40] =	vst v63  }
0x44: {  	_ =	swait.ge [sflag:s13], $0x1E00  }
0x45: {  	s30 =	sshrl.u32 s28, $0x3;
	[sflag:s13] =	ssyncset.done $0x0  }
0x46: {  	s30 =	sadd.s32 s5, s30;
	[sflag:s13] =	ssyncadd.s32 $0xFFFFE200  }
0x47: {  	[tilespmem:s3], [sflag:$0x3] =	stream.linear.gather [hbm4b:s30+s3], $0xA0, $0x38;
	[tilespmem:$0x12A40] =	vst v63  }
0x48: {  	_ =	swait.ge [sflag:s22], $0x1E00  }
0x49: {  	[sflag:s22] =	ssyncset.done $0x0  }
0x4a: {  	[sflag:s22] =	ssyncadd.s32 $0xFFFFE200  }
0x4b: {  	_ =	swait.ge [sflag:s23], $0xA0  }
0x4c: {  	[sflag:s23] =	ssyncset.done $0x0  }
0x4d: {  	[sflag:s23] =	ssyncadd.s32 $0xFFFFFF60  }
0x4e: {  	[tilespmem:s17], [sflag:$0x1] =	stream.indirect.gather [hbm4b:s4+s16], $0x60, s3, s16, $0xb8;
	[tilespmem:$0x12A40] =	vst v63  }
.Ltmp0:
0x4f: {  	(pc) =	sbr.rel @p0 .LBB2_2-.Ltmp0, $4  }
0x50: {  	[spmem:s2] =	stream.indirect.scatter.add.f32 [tilespmem:s21], [sflag:$0x5], $0x60, s24, s16, $0xb8;
	[tilespmem:$0x12A40] =	vst v63  }
0x51: {  	_ =	swait.ge [sflag:s13], $0x1E00  }
0x52: {  	[sflag:s13] =	ssyncset.done $0x0  }
0x53: {  	s28 =	sadd.s32 $0x140, s28;
	s29 =	sadd.s32 s29, s11;
	[sflag:s13] =	ssyncadd.s32 $0xFFFFE200  }
0x54: {  	[tilespmem:s18], [sflag:$0x4] =	stream.linear.gather [hbm4b:s29+s3], $0xA0, $0x38;
	[tilespmem:$0x12A40] =	vst v63  }
0x55: {  	_ =	swait.ge [sflag:s19], $0x1E00  }
0x56: {  	[sflag:s19] =	ssyncset.done $0x0  }
0x57: {  	[sflag:s19] =	ssyncadd.s32 $0xFFFFE200  }
0x58: {  	[spmem:s2] =	stream.indirect.scatter.add.f32 [tilespmem:s17], [sflag:$0x5], $0x60, s16, s16, $0xb8;
	[tilespmem:$0x12A40] =	vst v63  }
0x59: {  	_ =	swait.ge [sflag:s13], $0x1E00  }
0x5a: {  	[sflag:s13] =	ssyncset.done $0x0  }
0x5b: {  	[sflag:s13] =	ssyncadd.s32 $0xFFFFE200  }
0x5c: {  	_ =	swait.ge [sflag:s20], $0xA0  }
0x5d: {  	s25 =	sadd.s32 $0x1, s25;
	[sflag:s20] =	ssyncset.done $0x0  }
0x5e: {  	p0 =	sne.s32 s25, s10;
	[sflag:s20] =	ssyncadd.s32 $0xFFFFFF60  }
.Ltmp1:
0x5f: {  	[bflag:$0x0] =	sbarrier.arrive $0xFFFF;
	(pc) =	sbr.rel @p0 .LBB2_1-.Ltmp1, $4  }
0x60: {  	[hbm:s9], [sflag:s14] =	dma.local [spmem:s15], $0x1DA0  }
0x61: {  	_ =	swait.ge [sflag:s13], $0x1DA0  }
0x62: {  	[sflag:s13] =	ssyncset.done $0x0  }
0x63: {  	[sflag:s13] =	ssyncadd.s32 $0xFFFFE260  }
0x64: {  	_ =	sfence.sel $0x180000  }
0x65: {  	[bflag:$0x0] =	sbarrier.arrive $0xFFFF  }
0x66: {  	p0 =	sne.s32 s1, $0x0;
	_ =	strace $0x9000004A  }
0x67: {  	s0 =	sadd.s32 @!p0 $0x100000, s0;
	[bflag:$0x2] =	sbarrier.arrive $0xFFFF  }
0x68: {  	[sflag:s0] =	ssyncadd.tile.s32 @!p0 $0x1;
	_ =	shalt  }
.Lfunc_end2:
_tile_overlayer_lowered:
.L_overlay_start_2:
0x69: {  	(tag) =	ssettag $0x2  }
0x6a: {  	s0 =	rddreg [dreg:$0x0];
	s2 =	stileid.u32  }
0x6b: {  	s1 =	rddreg [dreg:$0x1];
	p0 =	sne.s32 s2, $0x0  }
0x6c: {  	s3 =	rddreg [dreg:$0x2];
	[bflag:$0x3] =	sbarrier.arrive $0xFFFF;
	s2 =	simm.s32 @!p0 $0x1C05  }
0x6d: {  	[timem:s3], [sflag:s2] =	dma.local @!p0 [hbm:s0], s1  }
0x6e: {  	s0 =	simm.s32 @!p0 $0x5  }
0x6f: {  	_ =	swait.ge @!p0 [sflag:s0], s1  }
0x70: {  	s1 =	ssub.s32 @!p0 $0x0, s1;
	[sflag:s0] =	ssyncset.done @!p0 $0x0  }
0x71: {  	[sflag:s0] =	ssyncadd.s32 @!p0 s1  }
0x72: {  	[bflag:$0x3] =	sbarrier.arrive $0xFFFF  }
0x73: {  	_ =	shalt  }

// kernel: kernel.14.cloned.1.call-start
scs
__scs_entry_jumppad:
0x0: {  	(pc) =	sbr.rel $0x88, $3  }
0x1: {  	(tag) =	ssettag $0x0;
	lr =	simm.s32 $0x1  }
0x2: {  	[smem:$0x3F8F] =	sst lr;
	_ =	strace $0xD0000000  }
0x3: {  	_ = 	snop  }
0x4: {  	_ = 	snop  }
0x5: {  	_ = 	snop  }
0x6: {  	_ = 	snop  }
0x7: {  	_ = 	snop  }
__scs_overlays_trampoline_lowered:
0x8: {  	[smem:$0x3F9E] =	sst s0  }
0x9: {  	[smem:$0x3F9F] =	sst s1  }
0xa: {  	[smem:$0x3FA0] =	sst s2  }
0xb: {  	[smem:$0x3FA1] =	sst s3  }
0xc: {  	[smem:$0x3FA2] =	sst s4  }
0xd: {  	[smem:$0x3FA3] =	sst s5  }
0xe: {  	[smem:$0x3FA4] =	sst s6  }
0xf: {  	[smem:$0x3FA5] =	sst s7  }
0x10: {  	[smem:$0x3FA6] =	sst s8  }
0x11: {  	[smem:$0x3FA7] =	sst s9;
	s0 =	simm.s32 @!p0 $0x0  }
0x12: {  	s1 =	sld [smem:$0x3F8D];
	s0 =	simm.s32 @p0 $0x1  }
0x13: {  	[smem:$0x3FA8] =	sst s0;
	s0 =	simm.s32 @!p1 $0x0  }
0x14: {  	s2 =	sld [smem:$0x3F8C];
	s0 =	simm.s32 @p1 $0x1  }
0x15: {  	[smem:$0x3FA9] =	sst s0;
	s0 =	simm.s32 @!p2 $0x0  }
0x16: {  	s3 =	sld [smem:$0x3FDB];
	s0 =	simm.s32 @p2 $0x1  }
0x17: {  	s4 =	simm.s32 $0x1BF5;
	[smem:$0x3FAB] =	sst s0  }
0x18: {  	s0 =	sld [smem:$0x3F8E];
	_ =	swait.ge [sflag:s4], $0x0  }
0x19: {  	s7 =	sld [smem:$0x3F8F]  }
0x1a: {  	s8 =	sadd.s32 $0xFFFFE003, lr  }
0x1b: {  	s9 =	sadd.s32 $0xFFFFFEF7, lr;
	s5 =	simm.s32 $0xFFFFFFFF;
	p2 =	slt.u32 s8, $0xFFFFF086  }
0x1c: {  	p1 =	slt.u32 s9, $0xF7A;
	s5 =	simm.s32 @!p2 $0x0  }
0x1d: {  	s5 =	simm.s32 @p1 $0x1;
	p0 =	seq.s32 s7, s2  }
0x1e: {  	s7 =	smul.u32 @!p0 $0xF7A, s2;
	p2 =	seq.s32 @!p0 s5, $0x0  }
0x1f: {  	s9 =	smul.u32 $0xF7A, s1;
	s8 =	simm.s32 @!p0 $0x1BF5;
	p2 =	por !p2, p0  }
0x20: {  	[sflag:s8] =	ssyncset.s32 @!p0 $0xFFFFF086;
	s6 =	sadd.s32 @!p0 s3, s7;
	s7 =	simm.s32 @!p0 $0x108  }
0x21: {  	s3 =	sadd.s32 s3, s9;
	s6 =	sadd.s32 @!p0 $0x88, s6;
	s7 =	simm.s32 @p2 $0x1082  }
0x22: {  	[simem:s7], [sflag:s8] =	dma.local @!p0 [hbm:s6], $0xF7A  }
0x23: {  	s9 =	sor.u32 $0xD0000000, s2;
	s6 =	simm.s32 $0x108;
	_ =	swait.ge @!p0 [sflag:s8], $0x0  }
0x24: {  	s3 =	sadd.s32 $0x88, s3;
	s6 =	simm.s32 @!p1 $0x1082;
	[sflag:s4] =	ssyncset.s32 $0xFFFFF086  }
0x25: {  	[simem:s6], [sflag:s4] =	dma.local [hbm:s3], $0xF7A  }
0x26: {  	[smem:$0x3F8F] =	sst s1;
	(tag) =	ssettag s2;
	_ =	strace s9  }
0x27: {  	s1 =	sld [smem:$0x3F9F]  }
0x28: {  	s2 =	sld [smem:$0x3FA0]  }
0x29: {  	s4 =	sld [smem:$0x3FA2]  }
0x2a: {  	p0 =	seq.s32 s5, $0x0;
	s5 =	sld [smem:$0x3FA3]  }
0x2b: {  	s6 =	sld [smem:$0x3FA4]  }
0x2c: {  	s7 =	sld [smem:$0x3FA5]  }
0x2d: {  	s3 =	simm.s32 $0x108;
	s8 =	sld [smem:$0x3FA6]  }
0x2e: {  	s3 =	simm.s32 @!p0 $0x1082;
	s9 =	sld [smem:$0x3FA7]  }
0x2f: {  	lr =	sadd.s32 s0, s3;
	s0 =	sld [smem:$0x3F9E]  }
0x30: {  	s3 =	sld [smem:$0x3FA1]  }
0x31: {  	[smem:$0x3FAA] =	sst s10  }
0x32: {  	s10 =	sld [smem:$0x3FA8];
	_ =	sdelay $0x3  }
0x33: {  	p0 =	seq.s32 s10, $0x1;
	s10 =	sld [smem:$0x3FAA];
	_ =	sdelay $0x3  }
0x34: {  	[smem:$0x3FAA] =	sst s10  }
0x35: {  	s10 =	sld [smem:$0x3FA9];
	_ =	sdelay $0x3  }
0x36: {  	p1 =	seq.s32 s10, $0x1;
	s10 =	sld [smem:$0x3FAA];
	_ =	sdelay $0x3  }
0x37: {  	[smem:$0x3FAA] =	sst s10  }
0x38: {  	s10 =	sld [smem:$0x3FAB]  }
0x39: {  	_ = 	snop;
	(pc) =	sbr.ind lr, $3  }
0x3a: {  	_ = 	snop  }
0x3b: {  	_ = 	snop  }
0x3c: {  	p2 =	seq.s32 s10, $0x1;
	s10 =	sld [smem:$0x3FAA]  }
0x3d: {  	_ =	shalt  }
0x3e: {  	_ =	shalt  }
0x3f: {  	_ =	shalt  }
0x40: {  	_ =	shalt  }
0x41: {  	_ =	shalt  }
0x42: {  	_ =	shalt  }
0x43: {  	_ =	shalt  }
0x44: {  	_ =	shalt  }
0x45: {  	_ =	shalt  }
0x46: {  	_ =	shalt  }
0x47: {  	_ =	shalt  }
0x48: {  	_ =	shalt  }
0x49: {  	_ =	shalt  }
0x4a: {  	_ =	shalt  }
0x4b: {  	_ =	shalt  }
0x4c: {  	_ =	shalt  }
0x4d: {  	_ =	shalt  }
0x4e: {  	_ =	shalt  }
0x4f: {  	_ =	shalt  }
0x50: {  	_ =	shalt  }
0x51: {  	_ =	shalt  }
0x52: {  	_ =	shalt  }
0x53: {  	_ =	shalt  }
0x54: {  	_ =	shalt  }
0x55: {  	_ =	shalt  }
0x56: {  	_ =	shalt  }
0x57: {  	_ =	shalt  }
0x58: {  	_ =	shalt  }
0x59: {  	_ =	shalt  }
0x5a: {  	_ =	shalt  }
0x5b: {  	_ =	shalt  }
0x5c: {  	_ =	shalt  }
0x5d: {  	_ =	shalt  }
0x5e: {  	_ =	shalt  }
0x5f: {  	_ =	shalt  }
0x60: {  	_ =	shalt  }
0x61: {  	_ =	shalt  }
0x62: {  	_ =	shalt  }
0x63: {  	_ =	shalt  }
0x64: {  	_ =	shalt  }
0x65: {  	_ =	shalt  }
0x66: {  	_ =	shalt  }
0x67: {  	_ =	shalt  }
0x68: {  	_ =	shalt  }
0x69: {  	_ =	shalt  }
0x6a: {  	_ =	shalt  }
0x6b: {  	_ =	shalt  }
0x6c: {  	_ =	shalt  }
0x6d: {  	_ =	shalt  }
0x6e: {  	_ =	shalt  }
0x6f: {  	_ =	shalt  }
0x70: {  	_ =	shalt  }
0x71: {  	_ =	shalt  }
0x72: {  	_ =	shalt  }
0x73: {  	_ =	shalt  }
0x74: {  	_ =	shalt  }
0x75: {  	_ =	shalt  }
0x76: {  	_ =	shalt  }
0x77: {  	_ =	shalt  }
0x78: {  	_ =	shalt  }
0x79: {  	_ =	shalt  }
0x7a: {  	_ =	shalt  }
0x7b: {  	_ =	shalt  }
0x7c: {  	_ =	shalt  }
0x7d: {  	_ =	shalt  }
0x7e: {  	_ =	shalt  }
0x7f: {  	_ =	shalt  }
0x80: {  	_ =	shalt  }
0x81: {  	_ =	shalt  }
0x82: {  	_ =	shalt  }
0x83: {  	_ =	shalt  }
0x84: {  	_ =	shalt  }
0x85: {  	_ =	shalt  }
0x86: {  	_ =	shalt  }
0x87: {  	_ =	shalt  }
.Lfunc_end0:
.L_simem_size_0:
called_computation.2_lowered:
.L_overlay_start_0:
0x88: {  	s2 =	sld [smem:$0x3FD9]  }
0x89: {  	s3 =	sld [smem:$0x3FFE];
	_ =	sdelay $0x1  }
0x8a: {  	s1 =	srdreg.scid  }
0x8b: {  	s0 =	sand.u32 $0x1, s1  }
0x8c: {  	s17 =	sshll.u32 s0, $0xA;
	s2 =	sadd.s32 s3, s2  }
0x8d: {  	s2 =	sadd.s32 s2, s17  }
0x8e: {  	[smem:$0x3FB6] =	sst s2  }
0x8f: {  	_ = 	snop  }
0x90: {  	s2 =	sld [smem:$0x3FD0];
	(tm) =	ssettm $0x1  }
0x91: {  	s18 =	sld [smem:$0x3FFB];
	_ =	sdelay $0x3  }
0x92: {  	_ =	strace s18  }
0x93: {  	s3 =	sld [smem:$0x3FFC];
	_ =	sdelay $0x3  }
0x94: {  	_ =	strace s3  }
0x95: {  	s3 =	sld [smem:$0x3FFD];
	_ =	sdelay $0x3  }
0x96: {  	_ =	strace s3  }
0x97: {  	_ =	strace $0x8FFFFFFF  }
0x98: {  	s19 =	sld [smem:$0x3FDB];
	_ =	sdelay $0x1  }
0x99: {  	s4 =	simm.s32 $_scs_section_size  }
0x9a: {  	s5 =	simm.s32 $_size__tile_overlayer_lowered;
	s6 =	simm.s32 $_tile_overlayer_lowered  }
0x9b: {  	s22 =	simm.s32 $0x1BFF;
	s21 =	sshll.u32 s6, $0x1;
	s3 =	sadd.s32 s4, s19  }
0x9c: {  	s7 =	simm.s32 $0x0;
	s20 =	sshll.u32 s5, $0x1;
	s5 =	sadd.s32 s21, s3  }
0x9d: {  	[timem:s7], [sflag:s22] =	dma.local [hbm:s5], s20  }
0x9e: {  	_ =	swait.ge [sflag:s22], s20  }
0x9f: {  	s4 =	ssub.s32 $0x0, s20;
	[sflag:s22] =	ssyncset.done $0x0  }
0xa0: {  	[sflag:s22] =	ssyncadd.s32 s4;
	_ =	sdelay $0x1  }
0xa1: {  	s23 =	simm.s32 $0x1B8B  }
0xa2: {  	_ =	swait.ge [sflag:s23], $0x1  }
0xa3: {  	[sflag:s23] =	ssyncset.done $0x0  }
0xa4: {  	s25 =	simm.s32 $0x1B8E;
	s24 =	sld [smem:$0x3FFE];
	[sflag:s23] =	ssyncadd.s32 $0xFFFFFFFF  }
0xa5: {  	s26 =	simm.s32 $execute0_lowered;
	[smem:$0x3FD2] =	sst s25  }
0xa6: {  	s5 =	sshll.u32 s26, $0x1;
	_ =	strace $0x8000004C;
	[dreg:$0x1] =	wrdreg $0xFFFFFFFF  }
0xa7: {  	s28 =	simm.s32 $_size_execute0_lowered;
	s3 =	sadd.s32 s3, s5;
	[dreg:$0x0] =	wrdreg $0x0  }
0xa8: {  	s5 =	sshll.u32 s28, $0x1;
	[dreg:$0x2] =	wrdreg s3  }
0xa9: {  	[dreg:$0x3] =	wrdreg s5  }
0xaa: {  	[dreg:$0x4] =	wrdreg $0xC0  }
0xab: {  	_ =	task [dreg:s7], $0x5FFFF  }
0xac: {  	[dreg:$0x1] =	wrdreg $0xFFFFFFFF  }
0xad: {  	[dreg:$0x0] =	wrdreg $0x60  }
0xae: {  	[dreg:$0x2] =	wrdreg s24  }
0xaf: {  	[dreg:$0x3] =	wrdreg s2  }
0xb0: {  	[dreg:$0x4] =	wrdreg $0x9  }
0xb1: {  	_ =	task.clear_ibuf [dreg:s7], $0x5FFFF;
	_ =	strace $0x9000004C  }
0xb2: {  	s29 =	simm.s32 $0x9;
	_ =	strace $0x8000004E  }
0xb3: {  	_ =	swait.ge [sflag:s29], $0x1  }
0xb4: {  	[sflag:s29] =	ssyncadd.s32 $0xFFFFFFFF  }
0xb5: {  	_ =	strace $0x9000004E  }
0xb6: {  	_ =	sfence  }
0xb7: {  	s30 =	sld [smem:$0x0];
	_ =	sdelay $0x2  }
0xb8: {  	s31 =	sshll.u32 s1, $0xD;
	s1 =	sshrl.u32 s1, $0x2  }
0xb9: {  	s3 =	sand.u32 $0x4000, s31;
	s1 =	sadd.s32 s1, s30  }
0xba: {  	s0 =	sor.u32 s3, s0;
	s1 =	sshll.u32 s1, $0x11  }
0xbb: {  	s0 =	sor.u32 s1, s0  }
0xbc: {  	s0 =	sadd.s32 $0x8F2B, s0  }
0xbd: {  	[sflag:s0] =	ssyncadd.remote.s32 $0x1  }
0xbe: {  	_ =	sfence.sel $0xFFFF  }
0xbf: {  	[dreg:$0x0] =	wrdreg $0xFFFFFFFF;
	(pc) =	sbr.abs _section_cstart, $3  }
0xc0: {  	[dreg:$0x1] =	wrdreg $0xFFFFFFFF  }
0xc1: {  	_ =	task.clear_ibuf [dreg:s7], $0x2FFFF;
	_ =	strace $0x9FFFFFFF  }
0xc2: {  	(tm) =	ssettm $0x7FFFFFFF  }
0xc3: {  	_ =	shalt  }
tec
execute0_lowered:
.L_overlay_start_1:
0x0: {  	(tag) =	ssettag $0x1  }
0x1: {  	s5 =	rddreg [dreg:$0x0]  }
0x2: {  	s0 =	srdreg.scid;
	s7 =	rddreg [dreg:$0x1]  }
0x3: {  	s2 =	simm.s32 $0x0;
	s15 =	simm.s32 $0x50;
	s16 =	simm.s32 $0x4E20  }
0x4: {  	s17 =	simm.s32 $0x7620;
	s18 =	simm.s32 $0x1;
	s19 =	simm.s32 $0x3  }
0x5: {  	s20 =	simm.s32 $0x6220;
	s21 =	simm.s32 $0x8A20;
	s8 =	sand.u32 $0x1, s0  }
0x6: {  	s22 =	simm.s32 $0x2;
	s0 =	stileid.u32;
	s13 =	smul.u32 $0x27100, s8  }
0x7: {  	s23 =	simm.s32 $0x4;
	s24 =	simm.s32 $0x0;
	s29 =	smul.u32 $0x2710, s0  }
0x8: {  	[smem:$0x7FF] =	sst s2;
	s1 =	sshll.u32 s8, $0x4;
	s31 =	smul.u32 $0x138800, s8  }
0x9: {  	s4 =	sadd.s32 $0x30E600, s5;
	s14 =	smul.u32 $0x13880, s0;
	s6 =	sor.u32 s0, s1  }
0xa: {  	s11 =	ssub.s32 $0x2, s8;
	s1 =	rddreg [dreg:$0x2];
	s3 =	smul.u32 $0x2710, s6  }
0xb: {  	_ =	strace $0x8000004D;
	s28 =	sshrl.u32 s11, $0x1;
	s12 =	smul.u32 $0x138800, s6  }
0xc: {  	s11 =	ssub.s32 s11, s28;
	s9 =	sshrl.u32 s3, $0x3;
	s3 =	sadd.s32 $0x4600, s5  }
0xd: {  	s30 =	sshrl.u32 s12, $0x4;
	s10 =	sadd.s32 s9, s5;
	s5 =	sadd.s32 $0x9D600, s5  }
0xe: {  	s7 =	sadd.s32 s7, s9;
	s9 =	sadd.s32 $0x13600, s30;
	s6 =	sadd.s32 $0x93800, s10  }
0xf: {  	s10 =	sadd.s32 s29, s13;
	s8 =	sadd.s32 s4, s9;
	s9 =	sadd.s32 s5, s9  }
0x10: {  	s13 =	sshll.u32 s10, $0x3;
	s10 =	smax.u32 s11, $0x1;
	s11 =	sadd.s32 s14, s31  }
0x11: {  	s14 =	simm.s32 $0x2710;
	s12 =	sadd.s32 $0x280, s13;
	s13 =	simm.s32 $0x5  }
.LBB2_1:
0x12: {  	[tilespmem:s2], [sflag:$0x5] =	stream.linear.gather [hbm4b:s6+s2], $0x2710, $0x38;
	[tilespmem:$0x9E20] =	vst v63  }
0x13: {  	_ =	swait.ge [sflag:s13], $0x2710  }
0x14: {  	[sflag:s13] =	ssyncset.done $0x0  }
0x15: {  	[sflag:s13] =	ssyncadd.s32 $0xFFFFD8F0  }
0x16: {  	[tilespmem:s14], [sflag:$0x5] =	stream.linear.gather [hbm4b:s7+s2], $0x2710, $0x38;
	[tilespmem:$0x9E20] =	vst v63  }
0x17: {  	_ =	swait.ge [sflag:s13], $0x2710  }
0x18: {  	[sflag:s13] =	ssyncset.done $0x0  }
0x19: {  	[sflag:s13] =	ssyncadd.s32 $0xFFFFD8F0  }
0x1a: {  	[tilespmem:s16], [sflag:$0x1] =	stream.indirect.gather [hbm4b:s3+s15], $0x40, s2, s15, $0xb8;
	[tilespmem:$0x9E20] =	vst v63  }
0x1b: {  	_ = 	snop  }
0x1c: {  	[tilespmem:s17], [sflag:$0x3] =	stream.indirect.gather [hbm4b:s3+s15], $0x40, s14, s15, $0xb8;
	[tilespmem:$0x9E20] =	vst v63  }
0x1d: {  	_ =	swait.ge [sflag:s18], $0x1400  }
0x1e: {  	[sflag:s18] =	ssyncset.done $0x0  }
0x1f: {  	[sflag:s18] =	ssyncadd.s32 $0xFFFFEC00  }
0x20: {  	_ =	swait.ge [sflag:s19], $0x1400  }
0x21: {  	[sflag:s19] =	ssyncset.done $0x0  }
0x22: {  	s25 =	simm.s32 $0x50;
	[sflag:s19] =	ssyncadd.s32 $0xFFFFEC00  }
0x23: {  	[tilespmem:s20], [sflag:$0x2] =	stream.indirect.gather [hbm4b:s3+s15], $0x40, s25, s15, $0xb8;
	[tilespmem:$0x9E20] =	vst v63  }
0x24: {  	s29 =	simm.s32 $0x2760  }
0x25: {  	[tilespmem:s21], [sflag:$0x4] =	stream.indirect.gather [hbm4b:s3+s15], $0x40, s29, s15, $0xb8;
	[tilespmem:$0x9E20] =	vst v63  }
0x26: {  	s30 =	sadd.s32 s4, s11  }
0x27: {  	[hbm4b:s30+s2] =	stream.linear.scatter [tilespmem:s16], [sflag:$0x5], $0x1400, $0x38;
	[tilespmem:$0x9E20] =	vst v63  }
0x28: {  	_ =	swait.ge [sflag:s13], $0x1400  }
0x29: {  	[sflag:s13] =	ssyncset.done $0x0  }
0x2a: {  	s31 =	sadd.s32 s5, s11;
	[sflag:s13] =	ssyncadd.s32 $0xFFFFEC00  }
0x2b: {  	[hbm4b:s31+s2] =	stream.linear.scatter [tilespmem:s17], [sflag:$0x5], $0x1400, $0x38;
	[tilespmem:$0x9E20] =	vst v63  }
0x2c: {  	_ =	swait.ge [sflag:s13], $0x1400  }
0x2d: {  	[sflag:s13] =	ssyncset.done $0x0  }
0x2e: {  	[sflag:s13] =	ssyncadd.s32 $0xFFFFEC00  }
0x2f: {  	_ =	swait.ge [sflag:s22], $0x1400  }
0x30: {  	[sflag:s22] =	ssyncset.done $0x0  }
0x31: {  	[sflag:s22] =	ssyncadd.s32 $0xFFFFEC00  }
0x32: {  	_ =	swait.ge [sflag:s23], $0x1400  }
0x33: {  	[sflag:s23] =	ssyncset.done $0x0  }
0x34: {  	s26 =	simm.s32 $0xA0;
	[sflag:s23] =	ssyncadd.s32 $0xFFFFEC00  }
0x35: {  	[tilespmem:s16], [sflag:$0x1] =	stream.indirect.gather [hbm4b:s3+s15], $0x40, s26, s15, $0xb8;
	[tilespmem:$0x9E20] =	vst v63  }
0x36: {  	s29 =	simm.s32 $0x27B0  }
0x37: {  	[tilespmem:s17], [sflag:$0x3] =	stream.indirect.gather [hbm4b:s3+s15], $0x40, s29, s15, $0xb8;
	[tilespmem:$0x9E20] =	vst v63  }
0x38: {  	s30 =	sadd.s32 s4, s12  }
0x39: {  	[hbm4b:s30+s2] =	stream.linear.scatter [tilespmem:s20], [sflag:$0x5], $0x1400, $0x38;
	[tilespmem:$0x9E20] =	vst v63  }
0x3a: {  	_ =	swait.ge [sflag:s13], $0x1400  }
0x3b: {  	[sflag:s13] =	ssyncset.done $0x0  }
0x3c: {  	s31 =	sadd.s32 s5, s12;
	[sflag:s13] =	ssyncadd.s32 $0xFFFFEC00  }
0x3d: {  	[hbm4b:s31+s2] =	stream.linear.scatter [tilespmem:s21], [sflag:$0x5], $0x1400, $0x38;
	[tilespmem:$0x9E20] =	vst v63  }
0x3e: {  	s28 =	smov.u32 s4;
	_ =	swait.ge [sflag:s13], $0x1400  }
0x3f: {  	s25 =	simm.s32 $0x280;
	s26 =	smov.u32 s5;
	[sflag:s13] =	ssyncset.done $0x0  }
.LBB2_2:
0x40: {  	[sflag:s13] =	ssyncadd.s32 $0xFFFFEC00  }
0x41: {  	s26 =	sadd.s32 $0x500, s26;
	s28 =	sadd.s32 $0x500, s28;
	s29 =	smov.u32 s25  }
0x42: {  	p0 =	sne.s32 s25, $0x9880;
	s25 =	sadd.s32 $0x280, s25;
	_ =	swait.ge [sflag:s18], $0x1400  }
0x43: {  	[sflag:s18] =	ssyncset.done $0x0  }
0x44: {  	[sflag:s18] =	ssyncadd.s32 $0xFFFFEC00  }
0x45: {  	_ =	swait.ge [sflag:s19], $0x1400  }
0x46: {  	s29 =	sshra.s32 s29, $0x2;
	[sflag:s19] =	ssyncset.done $0x0  }
0x47: {  	s30 =	sadd.s32 $0x50, s29;
	[sflag:s19] =	ssyncadd.s32 $0xFFFFEC00  }
0x48: {  	[tilespmem:s20], [sflag:$0x2] =	stream.indirect.gather [hbm4b:s3+s15], $0x40, s30, s15, $0xb8;
	[tilespmem:$0x9E20] =	vst v63  }
0x49: {  	s30 =	sadd.s32 $0x2760, s29  }
0x4a: {  	[tilespmem:s21], [sflag:$0x4] =	stream.indirect.gather [hbm4b:s3+s15], $0x40, s30, s15, $0xb8;
	[tilespmem:$0x9E20] =	vst v63  }
0x4b: {  	s30 =	sadd.s32 s28, s11  }
0x4c: {  	[hbm4b:s30+s2] =	stream.linear.scatter [tilespmem:s16], [sflag:$0x5], $0x1400, $0x38;
	[tilespmem:$0x9E20] =	vst v63  }
0x4d: {  	_ =	swait.ge [sflag:s13], $0x1400  }
0x4e: {  	[sflag:s13] =	ssyncset.done $0x0  }
0x4f: {  	s30 =	sadd.s32 s26, s11;
	[sflag:s13] =	ssyncadd.s32 $0xFFFFEC00  }
0x50: {  	[hbm4b:s30+s2] =	stream.linear.scatter [tilespmem:s17], [sflag:$0x5], $0x1400, $0x38;
	[tilespmem:$0x9E20] =	vst v63  }
0x51: {  	_ =	swait.ge [sflag:s13], $0x1400  }
0x52: {  	[sflag:s13] =	ssyncset.done $0x0  }
0x53: {  	[sflag:s13] =	ssyncadd.s32 $0xFFFFEC00  }
0x54: {  	_ =	swait.ge [sflag:s22], $0x1400  }
0x55: {  	[sflag:s22] =	ssyncset.done $0x0  }
0x56: {  	[sflag:s22] =	ssyncadd.s32 $0xFFFFEC00  }
0x57: {  	_ =	swait.ge [sflag:s23], $0x1400  }
0x58: {  	[sflag:s23] =	ssyncset.done $0x0  }
0x59: {  	s30 =	sadd.s32 $0xA0, s29;
	[sflag:s23] =	ssyncadd.s32 $0xFFFFEC00  }
0x5a: {  	[tilespmem:s16], [sflag:$0x1] =	stream.indirect.gather [hbm4b:s3+s15], $0x40, s30, s15, $0xb8;
	[tilespmem:$0x9E20] =	vst v63  }
0x5b: {  	s29 =	sadd.s32 $0x27B0, s29  }
0x5c: {  	[tilespmem:s17], [sflag:$0x3] =	stream.indirect.gather [hbm4b:s3+s15], $0x40, s29, s15, $0xb8;
	[tilespmem:$0x9E20] =	vst v63  }
0x5d: {  	s29 =	sadd.s32 s28, s12  }
0x5e: {  	[hbm4b:s29+s2] =	stream.linear.scatter [tilespmem:s20], [sflag:$0x5], $0x1400, $0x38;
	[tilespmem:$0x9E20] =	vst v63  }
0x5f: {  	_ =	swait.ge [sflag:s13], $0x1400  }
.Ltmp0:
0x60: {  	[sflag:s13] =	ssyncset.done $0x0;
	(pc) =	sbr.rel @p0 .LBB2_2-.Ltmp0, $4  }
0x61: {  	s29 =	sadd.s32 s26, s12;
	[sflag:s13] =	ssyncadd.s32 $0xFFFFEC00  }
0x62: {  	[hbm4b:s29+s2] =	stream.linear.scatter [tilespmem:s21], [sflag:$0x5], $0x1400, $0x38;
	[tilespmem:$0x9E20] =	vst v63  }
0x63: {  	_ =	swait.ge [sflag:s13], $0x1400  }
0x64: {  	[sflag:s13] =	ssyncset.done $0x0  }
0x65: {  	[sflag:s13] =	ssyncadd.s32 $0xFFFFEC00  }
0x66: {  	_ =	swait.ge [sflag:s18], $0x1400  }
0x67: {  	[sflag:s18] =	ssyncset.done $0x0  }
0x68: {  	[sflag:s18] =	ssyncadd.s32 $0xFFFFEC00  }
0x69: {  	_ =	swait.ge [sflag:s19], $0x1400  }
0x6a: {  	[sflag:s19] =	ssyncset.done $0x0  }
0x6b: {  	[sflag:s19] =	ssyncadd.s32 $0xFFFFEC00  }
0x6c: {  	[hbm4b:s8+s2] =	stream.linear.scatter [tilespmem:s16], [sflag:$0x5], $0x1400, $0x38;
	[tilespmem:$0x9E20] =	vst v63  }
0x6d: {  	s24 =	sadd.s32 $0x1, s24;
	_ =	swait.ge [sflag:s13], $0x1400  }
0x6e: {  	p0 =	sne.s32 s24, s10;
	[sflag:s13] =	ssyncset.done $0x0  }
.Ltmp1:
0x6f: {  	[sflag:s13] =	ssyncadd.s32 $0xFFFFEC00;
	(pc) =	sbr.rel @p0 .LBB2_1-.Ltmp1, $4  }
0x70: {  	[hbm4b:s9+s2] =	stream.linear.scatter [tilespmem:s17], [sflag:$0x5], $0x1400, $0x38;
	[tilespmem:$0x9E20] =	vst v63  }
0x71: {  	_ =	swait.ge [sflag:s13], $0x1400  }
0x72: {  	[sflag:s13] =	ssyncset.done $0x0  }
0x73: {  	[sflag:s13] =	ssyncadd.s32 $0xFFFFEC00  }
0x74: {  	_ =	sfence.sel $0x180000  }
0x75: {  	[bflag:$0x0] =	sbarrier.arrive $0xFFFF  }
0x76: {  	p0 =	sne.s32 s0, $0x0;
	_ =	strace $0x9000004D  }
0x77: {  	s0 =	sadd.s32 @!p0 $0x100000, s1;
	[bflag:$0x2] =	sbarrier.arrive $0xFFFF  }
0x78: {  	[sflag:s0] =	ssyncadd.tile.s32 @!p0 $0x1;
	_ =	shalt  }
.Lfunc_end2:
_tile_overlayer_lowered:
.L_overlay_start_2:
0x79: {  	(tag) =	ssettag $0x2  }
0x7a: {  	s0 =	rddreg [dreg:$0x0];
	s2 =	stileid.u32  }
0x7b: {  	s1 =	rddreg [dreg:$0x1];
	p0 =	sne.s32 s2, $0x0  }
0x7c: {  	s3 =	rddreg [dreg:$0x2];
	[bflag:$0x3] =	sbarrier.arrive $0xFFFF;
	s2 =	simm.s32 @!p0 $0x1C05  }
0x7d: {  	[timem:s3], [sflag:s2] =	dma.local @!p0 [hbm:s0], s1  }
0x7e: {  	s0 =	simm.s32 @!p0 $0x5  }
0x7f: {  	_ =	swait.ge @!p0 [sflag:s0], s1  }
0x80: {  	s1 =	ssub.s32 @!p0 $0x0, s1;
	[sflag:s0] =	ssyncset.done @!p0 $0x0  }
0x81: {  	[sflag:s0] =	ssyncadd.s32 @!p0 s1  }
0x82: {  	[bflag:$0x3] =	sbarrier.arrive $0xFFFF  }
0x83: {  	_ =	shalt  }

// kernel: kernel.8.cloned.1.call-start
scs
__scs_entry_jumppad:
0x0: {  	(pc) =	sbr.rel $0x88, $3  }
0x1: {  	(tag) =	ssettag $0x0;
	lr =	simm.s32 $0x1  }
0x2: {  	[smem:$0x3F8F] =	sst lr;
	_ =	strace $0xD0000000  }
0x3: {  	_ = 	snop  }
0x4: {  	_ = 	snop  }
0x5: {  	_ = 	snop  }
0x6: {  	_ = 	snop  }
0x7: {  	_ = 	snop  }
__scs_overlays_trampoline_lowered:
0x8: {  	[smem:$0x3F9E] =	sst s0  }
0x9: {  	[smem:$0x3F9F] =	sst s1  }
0xa: {  	[smem:$0x3FA0] =	sst s2  }
0xb: {  	[smem:$0x3FA1] =	sst s3  }
0xc: {  	[smem:$0x3FA2] =	sst s4  }
0xd: {  	[smem:$0x3FA3] =	sst s5  }
0xe: {  	[smem:$0x3FA4] =	sst s6  }
0xf: {  	[smem:$0x3FA5] =	sst s7  }
0x10: {  	[smem:$0x3FA6] =	sst s8  }
0x11: {  	[smem:$0x3FA7] =	sst s9;
	s0 =	simm.s32 @!p0 $0x0  }
0x12: {  	s1 =	sld [smem:$0x3F8D];
	s0 =	simm.s32 @p0 $0x1  }
0x13: {  	[smem:$0x3FA8] =	sst s0;
	s0 =	simm.s32 @!p1 $0x0  }
0x14: {  	s2 =	sld [smem:$0x3F8C];
	s0 =	simm.s32 @p1 $0x1  }
0x15: {  	[smem:$0x3FA9] =	sst s0;
	s0 =	simm.s32 @!p2 $0x0  }
0x16: {  	s3 =	sld [smem:$0x3FDB];
	s0 =	simm.s32 @p2 $0x1  }
0x17: {  	s4 =	simm.s32 $0x1BF5;
	[smem:$0x3FAB] =	sst s0  }
0x18: {  	s0 =	sld [smem:$0x3F8E];
	_ =	swait.ge [sflag:s4], $0x0  }
0x19: {  	s7 =	sld [smem:$0x3F8F]  }
0x1a: {  	s8 =	sadd.s32 $0xFFFFE003, lr  }
0x1b: {  	s9 =	sadd.s32 $0xFFFFFEF7, lr;
	s5 =	simm.s32 $0xFFFFFFFF;
	p2 =	slt.u32 s8, $0xFFFFF086  }
0x1c: {  	p1 =	slt.u32 s9, $0xF7A;
	s5 =	simm.s32 @!p2 $0x0  }
0x1d: {  	s5 =	simm.s32 @p1 $0x1;
	p0 =	seq.s32 s7, s2  }
0x1e: {  	s7 =	smul.u32 @!p0 $0xF7A, s2;
	p2 =	seq.s32 @!p0 s5, $0x0  }
0x1f: {  	s9 =	smul.u32 $0xF7A, s1;
	s8 =	simm.s32 @!p0 $0x1BF5;
	p2 =	por !p2, p0  }
0x20: {  	[sflag:s8] =	ssyncset.s32 @!p0 $0xFFFFF086;
	s6 =	sadd.s32 @!p0 s3, s7;
	s7 =	simm.s32 @!p0 $0x108  }
0x21: {  	s3 =	sadd.s32 s3, s9;
	s6 =	sadd.s32 @!p0 $0x88, s6;
	s7 =	simm.s32 @p2 $0x1082  }
0x22: {  	[simem:s7], [sflag:s8] =	dma.local @!p0 [hbm:s6], $0xF7A  }
0x23: {  	s9 =	sor.u32 $0xD0000000, s2;
	s6 =	simm.s32 $0x108;
	_ =	swait.ge @!p0 [sflag:s8], $0x0  }
0x24: {  	s3 =	sadd.s32 $0x88, s3;
	s6 =	simm.s32 @!p1 $0x1082;
	[sflag:s4] =	ssyncset.s32 $0xFFFFF086  }
0x25: {  	[simem:s6], [sflag:s4] =	dma.local [hbm:s3], $0xF7A  }
0x26: {  	[smem:$0x3F8F] =	sst s1;
	(tag) =	ssettag s2;
	_ =	strace s9  }
0x27: {  	s1 =	sld [smem:$0x3F9F]  }
0x28: {  	s2 =	sld [smem:$0x3FA0]  }
0x29: {  	s4 =	sld [smem:$0x3FA2]  }
0x2a: {  	p0 =	seq.s32 s5, $0x0;
	s5 =	sld [smem:$0x3FA3]  }
0x2b: {  	s6 =	sld [smem:$0x3FA4]  }
0x2c: {  	s7 =	sld [smem:$0x3FA5]  }
0x2d: {  	s3 =	simm.s32 $0x108;
	s8 =	sld [smem:$0x3FA6]  }
0x2e: {  	s3 =	simm.s32 @!p0 $0x1082;
	s9 =	sld [smem:$0x3FA7]  }
0x2f: {  	lr =	sadd.s32 s0, s3;
	s0 =	sld [smem:$0x3F9E]  }
0x30: {  	s3 =	sld [smem:$0x3FA1]  }
0x31: {  	[smem:$0x3FAA] =	sst s10  }
0x32: {  	s10 =	sld [smem:$0x3FA8];
	_ =	sdelay $0x3  }
0x33: {  	p0 =	seq.s32 s10, $0x1;
	s10 =	sld [smem:$0x3FAA];
	_ =	sdelay $0x3  }
0x34: {  	[smem:$0x3FAA] =	sst s10  }
0x35: {  	s10 =	sld [smem:$0x3FA9];
	_ =	sdelay $0x3  }
0x36: {  	p1 =	seq.s32 s10, $0x1;
	s10 =	sld [smem:$0x3FAA];
	_ =	sdelay $0x3  }
0x37: {  	[smem:$0x3FAA] =	sst s10  }
0x38: {  	s10 =	sld [smem:$0x3FAB]  }
0x39: {  	_ = 	snop;
	(pc) =	sbr.ind lr, $3  }
0x3a: {  	_ = 	snop  }
0x3b: {  	_ = 	snop  }
0x3c: {  	p2 =	seq.s32 s10, $0x1;
	s10 =	sld [smem:$0x3FAA]  }
0x3d: {  	_ =	shalt  }
0x3e: {  	_ =	shalt  }
0x3f: {  	_ =	shalt  }
0x40: {  	_ =	shalt  }
0x41: {  	_ =	shalt  }
0x42: {  	_ =	shalt  }
0x43: {  	_ =	shalt  }
0x44: {  	_ =	shalt  }
0x45: {  	_ =	shalt  }
0x46: {  	_ =	shalt  }
0x47: {  	_ =	shalt  }
0x48: {  	_ =	shalt  }
0x49: {  	_ =	shalt  }
0x4a: {  	_ =	shalt  }
0x4b: {  	_ =	shalt  }
0x4c: {  	_ =	shalt  }
0x4d: {  	_ =	shalt  }
0x4e: {  	_ =	shalt  }
0x4f: {  	_ =	shalt  }
0x50: {  	_ =	shalt  }
0x51: {  	_ =	shalt  }
0x52: {  	_ =	shalt  }
0x53: {  	_ =	shalt  }
0x54: {  	_ =	shalt  }
0x55: {  	_ =	shalt  }
0x56: {  	_ =	shalt  }
0x57: {  	_ =	shalt  }
0x58: {  	_ =	shalt  }
0x59: {  	_ =	shalt  }
0x5a: {  	_ =	shalt  }
0x5b: {  	_ =	shalt  }
0x5c: {  	_ =	shalt  }
0x5d: {  	_ =	shalt  }
0x5e: {  	_ =	shalt  }
0x5f: {  	_ =	shalt  }
0x60: {  	_ =	shalt  }
0x61: {  	_ =	shalt  }
0x62: {  	_ =	shalt  }
0x63: {  	_ =	shalt  }
0x64: {  	_ =	shalt  }
0x65: {  	_ =	shalt  }
0x66: {  	_ =	shalt  }
0x67: {  	_ =	shalt  }
0x68: {  	_ =	shalt  }
0x69: {  	_ =	shalt  }
0x6a: {  	_ =	shalt  }
0x6b: {  	_ =	shalt  }
0x6c: {  	_ =	shalt  }
0x6d: {  	_ =	shalt  }
0x6e: {  	_ =	shalt  }
0x6f: {  	_ =	shalt  }
0x70: {  	_ =	shalt  }
0x71: {  	_ =	shalt  }
0x72: {  	_ =	shalt  }
0x73: {  	_ =	shalt  }
0x74: {  	_ =	shalt  }
0x75: {  	_ =	shalt  }
0x76: {  	_ =	shalt  }
0x77: {  	_ =	shalt  }
0x78: {  	_ =	shalt  }
0x79: {  	_ =	shalt  }
0x7a: {  	_ =	shalt  }
0x7b: {  	_ =	shalt  }
0x7c: {  	_ =	shalt  }
0x7d: {  	_ =	shalt  }
0x7e: {  	_ =	shalt  }
0x7f: {  	_ =	shalt  }
0x80: {  	_ =	shalt  }
0x81: {  	_ =	shalt  }
0x82: {  	_ =	shalt  }
0x83: {  	_ =	shalt  }
0x84: {  	_ =	shalt  }
0x85: {  	_ =	shalt  }
0x86: {  	_ =	shalt  }
0x87: {  	_ =	shalt  }
.Lfunc_end0:
.L_simem_size_0:
called_computation_lowered:
.L_overlay_start_0:
0x88: {  	s2 =	sld [smem:$0x3FD9]  }
0x89: {  	s3 =	sld [smem:$0x3FFE];
	_ =	sdelay $0x1  }
0x8a: {  	s1 =	srdreg.scid  }
0x8b: {  	s0 =	sand.u32 $0x1, s1  }
0x8c: {  	s17 =	sshll.u32 s0, $0xA;
	s2 =	sadd.s32 s3, s2  }
0x8d: {  	s2 =	sadd.s32 s2, s17  }
0x8e: {  	[smem:$0x3FB6] =	sst s2  }
0x8f: {  	_ = 	snop  }
0x90: {  	s2 =	sld [smem:$0x3FC9];
	(tm) =	ssettm $0x1  }
0x91: {  	s18 =	sld [smem:$0x3FFB];
	_ =	sdelay $0x3  }
0x92: {  	_ =	strace s18  }
0x93: {  	s3 =	sld [smem:$0x3FFC];
	_ =	sdelay $0x3  }
0x94: {  	_ =	strace s3  }
0x95: {  	s3 =	sld [smem:$0x3FFD];
	_ =	sdelay $0x3  }
0x96: {  	_ =	strace s3  }
0x97: {  	_ =	strace $0x8FFFFFFF  }
0x98: {  	s19 =	sld [smem:$0x3FDB];
	_ =	sdelay $0x1  }
0x99: {  	s4 =	simm.s32 $_scs_section_size  }
0x9a: {  	s5 =	simm.s32 $_size__tile_overlayer_lowered;
	s6 =	simm.s32 $_tile_overlayer_lowered  }
0x9b: {  	s22 =	simm.s32 $0x1BFF;
	s21 =	sshll.u32 s6, $0x1;
	s3 =	sadd.s32 s4, s19  }
0x9c: {  	s7 =	simm.s32 $0x0;
	s20 =	sshll.u32 s5, $0x1;
	s5 =	sadd.s32 s21, s3  }
0x9d: {  	[timem:s7], [sflag:s22] =	dma.local [hbm:s5], s20  }
0x9e: {  	_ =	swait.ge [sflag:s22], s20  }
0x9f: {  	s4 =	ssub.s32 $0x0, s20;
	[sflag:s22] =	ssyncset.done $0x0  }
0xa0: {  	[sflag:s22] =	ssyncadd.s32 s4;
	_ =	sdelay $0x1  }
0xa1: {  	s23 =	simm.s32 $0x1B8B  }
0xa2: {  	_ =	swait.ge [sflag:s23], $0x1  }
0xa3: {  	[sflag:s23] =	ssyncset.done $0x0  }
0xa4: {  	s25 =	simm.s32 $0x1B8E;
	s24 =	sld [smem:$0x3FFE];
	[sflag:s23] =	ssyncadd.s32 $0xFFFFFFFF  }
0xa5: {  	s26 =	simm.s32 $execute0_lowered;
	[smem:$0x3FD2] =	sst s25  }
0xa6: {  	s5 =	sshll.u32 s26, $0x1;
	_ =	strace $0x80000046;
	[dreg:$0x1] =	wrdreg $0xFFFFFFFF  }
0xa7: {  	s28 =	simm.s32 $_size_execute0_lowered;
	s3 =	sadd.s32 s3, s5;
	[dreg:$0x0] =	wrdreg $0x0  }
0xa8: {  	s5 =	sshll.u32 s28, $0x1;
	[dreg:$0x2] =	wrdreg s3  }
0xa9: {  	[dreg:$0x3] =	wrdreg s5  }
0xaa: {  	[dreg:$0x4] =	wrdreg $0xC0  }
0xab: {  	_ =	task [dreg:s7], $0x5FFFF  }
0xac: {  	[dreg:$0x1] =	wrdreg $0xFFFFFFFF  }
0xad: {  	[dreg:$0x0] =	wrdreg $0x60  }
0xae: {  	[dreg:$0x2] =	wrdreg s2  }
0xaf: {  	[dreg:$0x3] =	wrdreg s24  }
0xb0: {  	[dreg:$0x4] =	wrdreg $0x7DC00  }
0xb1: {  	[dreg:$0x5] =	wrdreg $0x56400  }
0xb2: {  	[dreg:$0x6] =	wrdreg $0x9  }
0xb3: {  	_ =	task.clear_ibuf [dreg:s7], $0x7FFFF;
	_ =	strace $0x90000046  }
0xb4: {  	s29 =	simm.s32 $0x9;
	_ =	strace $0x80000048  }
0xb5: {  	_ =	swait.ge [sflag:s29], $0x1  }
0xb6: {  	[sflag:s29] =	ssyncadd.s32 $0xFFFFFFFF  }
0xb7: {  	_ =	strace $0x90000048  }
0xb8: {  	_ =	sfence  }
0xb9: {  	s30 =	sld [smem:$0x0];
	_ =	sdelay $0x2  }
0xba: {  	s31 =	sshll.u32 s1, $0xD;
	s1 =	sshrl.u32 s1, $0x2  }
0xbb: {  	s3 =	sand.u32 $0x4000, s31;
	s1 =	sadd.s32 s1, s30  }
0xbc: {  	s0 =	sor.u32 s3, s0;
	s1 =	sshll.u32 s1, $0x11  }
0xbd: {  	s0 =	sor.u32 s1, s0  }
0xbe: {  	s0 =	sadd.s32 $0x8F2B, s0  }
0xbf: {  	[sflag:s0] =	ssyncadd.remote.s32 $0x1  }
0xc0: {  	_ =	sfence.sel $0xFFFF  }
0xc1: {  	[dreg:$0x0] =	wrdreg $0xFFFFFFFF;
	(pc) =	sbr.abs _section_cstart, $3  }
0xc2: {  	[dreg:$0x1] =	wrdreg $0xFFFFFFFF  }
0xc3: {  	_ =	task.clear_ibuf [dreg:s7], $0x2FFFF;
	_ =	strace $0x9FFFFFFF  }
0xc4: {  	(tm) =	ssettm $0x7FFFFFFF  }
0xc5: {  	_ =	shalt  }
tec
execute0_lowered:
.L_overlay_start_1:
0x0: {  	(tag) =	ssettag $0x1  }
0x1: {  	s1 =	rddreg [dreg:$0x0]  }
0x2: {  	s0 =	rddreg [dreg:$0x1]  }
0x3: {  	s3 =	rddreg [dreg:$0x2]  }
0x4: {  	s4 =	rddreg [dreg:$0x3];
	s17 =	stileid.u32  }
0x5: {  	s5 =	simm.s32 $0x0;
	s6 =	srdreg.scid;
	s28 =	simm.s32 $0x2940  }
0x6: {  	s29 =	simm.s32 $0x2;
	s30 =	simm.s32 $0x3;
	s2 =	smul.u32 $0x13C00, s17  }
0x7: {  	s31 =	simm.s32 $0xF0;
	[smem:$0x7FF] =	sst s5;
	s7 =	smul.u32 $0x2780, s17  }
0x8: {  	s8 =	sand.u32 $0x1, s6;
	s6 =	sadd.s32 $0x4600, s0;
	s22 =	smul.u32 $0x4EC0, s17  }
0x9: {  	s13 =	sadd.s32 $0x1D200, s0;
	s26 =	sshll.u32 s17, $0x6;
	s10 =	smul.u32 $0x13C000, s8  }
0xa: {  	_ =	strace $0x80000047;
	s12 =	smul.u32 $0x27800, s8;
	[dreg:$0x5] =	wrdreg s13  }
0xb: {  	s15 =	sshll.u32 s8, $0x4;
	s19 =	ssub.s32 $0x2, s8;
	s9 =	sshrl.u32 s2, $0x3  }
0xc: {  	s11 =	sshrl.u32 s7, $0x3;
	s18 =	sor.u32 s17, s15;
	s20 =	sshrl.u32 s19, $0x1  }
0xd: {  	s15 =	smul.u32 $0x4EC00, s8;
	s17 =	simm.s32 $0x5;
	s9 =	sadd.s32 s9, s0  }
0xe: {  	s11 =	sadd.s32 s11, s0;
	s10 =	sadd.s32 s2, s10;
	s16 =	sadd.s32 s7, s12  }
0xf: {  	s12 =	smul.u32 $0x4EC0, s18;
	s2 =	sadd.s32 s2, s3;
	s7 =	sadd.s32 s7, s4  }
0x10: {  	s18 =	sor.u32 $0x1C05, s26;
	s26 =	simm.s32 $0x4;
	s10 =	sshrl.u32 s10, $0x3  }
0x11: {  	s9 =	sadd.s32 $0x1D400, s9;
	s23 =	sadd.s32 $0x18200, s11;
	s24 =	sadd.s32 s22, s15  }
0x12: {  	s22 =	simm.s32 $0x50;
	s14 =	sadd.s32 s10, s0;
	s10 =	sshrl.u32 s16, $0x3  }
0x13: {  	s16 =	ssub.s32 s19, s20;
	s21 =	sshrl.u32 s12, $0x3;
	[dreg:$0x6] =	wrdreg s9  }
0x14: {  	[dreg:$0x7] =	wrdreg s23;
	s15 =	sadd.s32 $0x1E0, s24;
	s19 =	sshrl.u32 s2, $0x3  }
0x15: {  	s20 =	sshrl.u32 s7, $0x3;
	s23 =	simm.s32 $0x140;
	s0 =	sadd.s32 s10, s0  }
0x16: {  	s8 =	sadd.s32 s6, s21;
	s12 =	sadd.s32 $0x4EA00, s14;
	s14 =	smax.u32 s16, $0x1  }
0x17: {  	s25 =	sshrl.u32 s15, $0x3;
	s16 =	sadd.s32 $0x140, s24;
	s21 =	simm.s32 $0x5140  }
0x18: {  	s24 =	simm.s32 $0xA0;
	s11 =	sadd.s32 $0x14, s8;
	s13 =	sadd.s32 $0x44C00, s0  }
0x19: {  	s15 =	sadd.s32 s25, s6;
	s25 =	simm.s32 $0x1;
	s0 =	simm.s32 $0x0  }
.LBB2_1:
0x1a: {  	[tilespmem:s5], [sflag:$0x5] =	stream.linear.gather [hbm4b:s8+s5], $0xA0, $0x38;
	[tilespmem:$0x1B9C0] =	vst v63  }
0x1b: {  	_ =	swait.ge [sflag:s17], $0xA0  }
0x1c: {  	[sflag:s17] =	ssyncset.done $0x0  }
0x1d: {  	s2 =	rddreg [dreg:$0x6];
	[sflag:s17] =	ssyncadd.s32 $0xFFFFFF60  }
0x1e: {  	[spmem:s19], [sflag:s18] =	dma.local [hbm:s2], $0x2780  }
0x1f: {  	_ =	swait.ge [sflag:s17], $0x2780  }
0x20: {  	[sflag:s17] =	ssyncset.done $0x0  }
0x21: {  	s7 =	rddreg [dreg:$0x7];
	[sflag:s17] =	ssyncadd.s32 $0xFFFFD880  }
0x22: {  	[spmem:s20], [sflag:s18] =	dma.local [hbm:s7], $0x4F0  }
0x23: {  	_ =	swait.ge [sflag:s17], $0x4F0  }
0x24: {  	[sflag:s17] =	ssyncset.done $0x0  }
0x25: {  	s9 =	rddreg [dreg:$0x5];
	[sflag:s17] =	ssyncadd.s32 $0xFFFFFB10  }
0x26: {  	[tilespmem:s21], [sflag:$0x5] =	stream.linear.gather [hbm4b:s9+s5], $0x500, $0x38;
	[tilespmem:$0x1B9C0] =	vst v63  }
0x27: {  	_ =	swait.ge [sflag:s17], $0x500  }
0x28: {  	[sflag:s17] =	ssyncset.done $0x0  }
0x29: {  	[sflag:s17] =	ssyncadd.s32 $0xFFFFFB00  }
0x2a: {  	[bflag:$0x0] =	sbarrier.arrive $0xFFFF  }
0x2b: {  	[tilespmem:s23], [sflag:$0x1] =	stream.indirect.gather [hbm4b:s1+s22], $0x80, s5, s22, $0xb8;
	[tilespmem:$0x1B9C0] =	vst v63  }
0x2c: {  	_ = 	snop  }
0x2d: {  	[tilespmem:s24], [sflag:$0x4] =	stream.linear.gather [hbm4b:s11+s5], $0xA0, $0x38;
	[tilespmem:$0x1B9C0] =	vst v63  }
0x2e: {  	_ =	swait.ge [sflag:s25], $0x2800  }
0x2f: {  	[sflag:s25] =	ssyncset.done $0x0  }
0x30: {  	[sflag:s25] =	ssyncadd.s32 $0xFFFFD800  }
0x31: {  	_ =	swait.ge [sflag:s26], $0xA0  }
0x32: {  	[sflag:s26] =	ssyncset.done $0x0  }
0x33: {  	[sflag:s26] =	ssyncadd.s32 $0xFFFFFF60  }
0x34: {  	[tilespmem:s28], [sflag:$0x2] =	stream.indirect.gather [hbm4b:s1+s22], $0x80, s24, s22, $0xb8;
	[tilespmem:$0x1B9C0] =	vst v63  }
0x35: {  	_ = 	snop  }
0x36: {  	[spmem:s3] =	stream.indirect.scatter.add.f32 [tilespmem:s23], [sflag:$0x5], $0x80, s22, s22, $0xb8;
	[tilespmem:$0x1B9C0] =	vst v63  }
0x37: {  	_ =	swait.ge [sflag:s17], $0x2800  }
0x38: {  	[sflag:s17] =	ssyncset.done $0x0  }
0x39: {  	[sflag:s17] =	ssyncadd.s32 $0xFFFFD800  }
0x3a: {  	[spmem:s4] =	stream.indirect.scatter.add.f32 [tilespmem:s21], [sflag:$0x5], $0x10, s22, s22, $0xb8;
	[tilespmem:$0x1B9C0] =	vst v63  }
0x3b: {  	_ =	swait.ge [sflag:s17], $0x500  }
0x3c: {  	s10 =	sshrl.u32 s16, $0x3;
	[sflag:s17] =	ssyncset.done $0x0  }
0x3d: {  	s2 =	sadd.s32 s6, s10;
	[sflag:s17] =	ssyncadd.s32 $0xFFFFFB00  }
0x3e: {  	[tilespmem:s5], [sflag:$0x3] =	stream.linear.gather [hbm4b:s2+s5], $0xA0, $0x38;
	[tilespmem:$0x1B9C0] =	vst v63  }
0x3f: {  	_ =	swait.ge [sflag:s29], $0x2800  }
0x40: {  	[sflag:s29] =	ssyncset.done $0x0  }
0x41: {  	[sflag:s29] =	ssyncadd.s32 $0xFFFFD800  }
0x42: {  	_ =	swait.ge [sflag:s30], $0xA0  }
0x43: {  	[sflag:s30] =	ssyncset.done $0x0  }
0x44: {  	[sflag:s30] =	ssyncadd.s32 $0xFFFFFF60  }
0x45: {  	[tilespmem:s23], [sflag:$0x1] =	stream.indirect.gather [hbm4b:s1+s22], $0x80, s5, s22, $0xb8;
	[tilespmem:$0x1B9C0] =	vst v63  }
0x46: {  	_ = 	snop  }
0x47: {  	[spmem:s3] =	stream.indirect.scatter.add.f32 [tilespmem:s28], [sflag:$0x5], $0x80, s31, s22, $0xb8;
	[tilespmem:$0x1B9C0] =	vst v63  }
0x48: {  	_ =	swait.ge [sflag:s17], $0x2800  }
0x49: {  	[sflag:s17] =	ssyncset.done $0x0  }
0x4a: {  	[sflag:s17] =	ssyncadd.s32 $0xFFFFD800  }
0x4b: {  	[spmem:s4] =	stream.indirect.scatter.add.f32 [tilespmem:s21], [sflag:$0x5], $0x10, s31, s22, $0xb8;
	[tilespmem:$0x1B9C0] =	vst v63  }
0x4c: {  	_ =	swait.ge [sflag:s17], $0x500  }
0x4d: {  	s7 =	sadd.s32 $0x140, s16;
	[sflag:s17] =	ssyncset.done $0x0  }
0x4e: {  	s9 =	sadd.s32 $0x0, s15;
	s2 =	simm.s32 $0x28;
	[sflag:s17] =	ssyncadd.s32 $0xFFFFFB00  }
.LBB2_2:
0x4f: {  	[tilespmem:s24], [sflag:$0x4] =	stream.linear.gather [hbm4b:s9+s5], $0xA0, $0x38;
	[tilespmem:$0x1B9C0] =	vst v63  }
0x50: {  	s9 =	smov.u32 s2  }
0x51: {  	p0 =	sne.s32 s2, $0x988;
	s2 =	sadd.s32 $0x28, s2;
	_ =	swait.ge [sflag:s25], $0x2800  }
0x52: {  	[sflag:s25] =	ssyncset.done $0x0  }
0x53: {  	[sflag:s25] =	ssyncadd.s32 $0xFFFFD800  }
0x54: {  	_ =	swait.ge [sflag:s26], $0xA0  }
0x55: {  	[sflag:s26] =	ssyncset.done $0x0  }
0x56: {  	[sflag:s26] =	ssyncadd.s32 $0xFFFFFF60  }
0x57: {  	[tilespmem:s28], [sflag:$0x2] =	stream.indirect.gather [hbm4b:s1+s22], $0x80, s24, s22, $0xb8;
	[tilespmem:$0x1B9C0] =	vst v63  }
0x58: {  	_ = 	snop  }
0x59: {  	[spmem:s3] =	stream.indirect.scatter.add.f32 [tilespmem:s23], [sflag:$0x5], $0x80, s22, s22, $0xb8;
	[tilespmem:$0x1B9C0] =	vst v63  }
0x5a: {  	_ =	swait.ge [sflag:s17], $0x2800  }
0x5b: {  	[sflag:s17] =	ssyncset.done $0x0  }
0x5c: {  	[sflag:s17] =	ssyncadd.s32 $0xFFFFD800  }
0x5d: {  	[spmem:s4] =	stream.indirect.scatter.add.f32 [tilespmem:s21], [sflag:$0x5], $0x10, s22, s22, $0xb8;
	[tilespmem:$0x1B9C0] =	vst v63  }
0x5e: {  	_ =	swait.ge [sflag:s17], $0x500  }
0x5f: {  	s10 =	sshrl.u32 s7, $0x3;
	[sflag:s17] =	ssyncset.done $0x0  }
0x60: {  	s10 =	sadd.s32 s6, s10;
	[sflag:s17] =	ssyncadd.s32 $0xFFFFFB00  }
0x61: {  	[tilespmem:s5], [sflag:$0x3] =	stream.linear.gather [hbm4b:s10+s5], $0xA0, $0x38;
	[tilespmem:$0x1B9C0] =	vst v63  }
0x62: {  	_ =	swait.ge [sflag:s29], $0x2800  }
0x63: {  	[sflag:s29] =	ssyncset.done $0x0  }
0x64: {  	[sflag:s29] =	ssyncadd.s32 $0xFFFFD800  }
0x65: {  	_ =	swait.ge [sflag:s30], $0xA0  }
0x66: {  	[sflag:s30] =	ssyncset.done $0x0  }
0x67: {  	[sflag:s30] =	ssyncadd.s32 $0xFFFFFF60  }
0x68: {  	[tilespmem:s23], [sflag:$0x1] =	stream.indirect.gather [hbm4b:s1+s22], $0x80, s5, s22, $0xb8;
	[tilespmem:$0x1B9C0] =	vst v63  }
0x69: {  	_ = 	snop  }
0x6a: {  	[spmem:s3] =	stream.indirect.scatter.add.f32 [tilespmem:s28], [sflag:$0x5], $0x80, s31, s22, $0xb8;
	[tilespmem:$0x1B9C0] =	vst v63  }
0x6b: {  	_ =	swait.ge [sflag:s17], $0x2800  }
0x6c: {  	[sflag:s17] =	ssyncset.done $0x0  }
.Ltmp0:
0x6d: {  	[sflag:s17] =	ssyncadd.s32 $0xFFFFD800;
	(pc) =	sbr.rel @p0 .LBB2_2-.Ltmp0, $4  }
0x6e: {  	[spmem:s4] =	stream.indirect.scatter.add.f32 [tilespmem:s21], [sflag:$0x5], $0x10, s31, s22, $0xb8;
	[tilespmem:$0x1B9C0] =	vst v63  }
0x6f: {  	_ =	swait.ge [sflag:s17], $0x500  }
0x70: {  	[sflag:s17] =	ssyncset.done $0x0  }
0x71: {  	s7 =	sadd.s32 $0x140, s7;
	s9 =	sadd.s32 s9, s15;
	[sflag:s17] =	ssyncadd.s32 $0xFFFFFB00  }
0x72: {  	[tilespmem:s24], [sflag:$0x4] =	stream.linear.gather [hbm4b:s9+s5], $0xA0, $0x38;
	[tilespmem:$0x1B9C0] =	vst v63  }
0x73: {  	_ =	swait.ge [sflag:s25], $0x2800  }
0x74: {  	[sflag:s25] =	ssyncset.done $0x0  }
0x75: {  	[sflag:s25] =	ssyncadd.s32 $0xFFFFD800  }
0x76: {  	[spmem:s3] =	stream.indirect.scatter.add.f32 [tilespmem:s23], [sflag:$0x5], $0x80, s22, s22, $0xb8;
	[tilespmem:$0x1B9C0] =	vst v63  }
0x77: {  	_ =	swait.ge [sflag:s17], $0x2800  }
0x78: {  	[sflag:s17] =	ssyncset.done $0x0  }
0x79: {  	[sflag:s17] =	ssyncadd.s32 $0xFFFFD800  }
0x7a: {  	[spmem:s4] =	stream.indirect.scatter.add.f32 [tilespmem:s21], [sflag:$0x5], $0x10, s22, s22, $0xb8;
	[tilespmem:$0x1B9C0] =	vst v63  }
0x7b: {  	_ =	swait.ge [sflag:s17], $0x500  }
0x7c: {  	[sflag:s17] =	ssyncset.done $0x0  }
0x7d: {  	[sflag:s17] =	ssyncadd.s32 $0xFFFFFB00  }
0x7e: {  	_ =	swait.ge [sflag:s26], $0xA0  }
0x7f: {  	[sflag:s26] =	ssyncset.done $0x0  }
0x80: {  	[sflag:s26] =	ssyncadd.s32 $0xFFFFFF60  }
0x81: {  	[bflag:$0x0] =	sbarrier.arrive $0xFFFF  }
0x82: {  	[hbm:s12], [sflag:s18] =	dma.local [spmem:s19], $0x2780  }
0x83: {  	s0 =	sadd.s32 $0x1, s0;
	_ =	swait.ge [sflag:s17], $0x2780  }
0x84: {  	p0 =	sne.s32 s0, s14;
	[sflag:s17] =	ssyncset.done $0x0  }
.Ltmp1:
0x85: {  	[sflag:s17] =	ssyncadd.s32 $0xFFFFD880;
	(pc) =	sbr.rel @p0 .LBB2_1-.Ltmp1, $4  }
0x86: {  	[hbm:s13], [sflag:s18] =	dma.local [spmem:s20], $0x4F0  }
0x87: {  	_ =	swait.ge [sflag:s17], $0x4F0  }
0x88: {  	[sflag:s17] =	ssyncset.done $0x0  }
0x89: {  	[sflag:s17] =	ssyncadd.s32 $0xFFFFFB10  }
0x8a: {  	_ =	sfence.sel $0x180000  }
0x8b: {  	[bflag:$0x0] =	sbarrier.arrive $0xFFFF  }
0x8c: {  	_ =	strace $0x90000047  }
0x8d: {  	s0 =	stileid.u32;
	[bflag:$0x2] =	sbarrier.arrive $0xFFFF  }
0x8e: {  	p0 =	sne.s32 s0, $0x0;
	s0 =	rddreg [dreg:$0x4]  }
0x8f: {  	s0 =	sadd.s32 @!p0 $0x100000, s0  }
0x90: {  	[sflag:s0] =	ssyncadd.tile.s32 @!p0 $0x1;
	_ =	shalt  }
.Lfunc_end2:
_tile_overlayer_lowered:
.L_overlay_start_2:
0x91: {  	(tag) =	ssettag $0x2  }
0x92: {  	s0 =	rddreg [dreg:$0x0];
	s2 =	stileid.u32  }
0x93: {  	s1 =	rddreg [dreg:$0x1];
	p0 =	sne.s32 s2, $0x0  }
0x94: {  	s3 =	rddreg [dreg:$0x2];
	[bflag:$0x3] =	sbarrier.arrive $0xFFFF;
	s2 =	simm.s32 @!p0 $0x1C05  }
0x95: {  	[timem:s3], [sflag:s2] =	dma.local @!p0 [hbm:s0], s1  }
0x96: {  	s0 =	simm.s32 @!p0 $0x5  }
0x97: {  	_ =	swait.ge @!p0 [sflag:s0], s1  }
0x98: {  	s1 =	ssub.s32 @!p0 $0x0, s1;
	[sflag:s0] =	ssyncset.done @!p0 $0x0  }
0x99: {  	[sflag:s0] =	ssyncadd.s32 @!p0 s1  }
0x9a: {  	[bflag:$0x3] =	sbarrier.arrive $0xFFFF  }
0x9b: {  	_ =	shalt  }

</sc_bundles>
